<compile_context>
chip_gen: v7x
topology: tpu7x:2x2x1
jax: 0.10.2.dev20260603
libtpu: 0.0.44.dev20260713+nightly
codegen_flags: <defaults>
</compile_context>

<pallas_src>
import functools

import jax
import jax.numpy as jnp
from jax import lax
from jax.experimental import pallas as pl
from jax.experimental.pallas import tpu as pltpu
from jax.experimental.pallas import tpu_sc as plsc

_H = 384
_W = 384
_HW = _H * _W
_NW = 32
_K = 96
_MPW = _K // _NW
_CH = 16384
_NCH = _HW // _CH
_U = 8
_RU = 4
_B = 8


def _sc_argmax(x_hbm, out_hbm, buf0, buf1, res, sem0, sem1):
    ci = lax.axis_index("c")
    si = lax.axis_index("s")
    wid = si * 2 + ci
    ioa = lax.iota(jnp.int32, 16)
    base = wid * (_MPW * _HW)
    bufs = (buf0, buf1)
    sems = (sem0, sem1)
    neg = jnp.full((16,), -jnp.inf, jnp.float32)
    bigi = jnp.full((16,), jnp.int32(1 << 30), jnp.int32)

    def perm(v, idx):
        return lax.gather(
            v, idx[:, None],
            dimension_numbers=lax.GatherDimensionNumbers(
                offset_dims=(), collapsed_slice_dims=(0,), start_index_map=(0,)),
            slice_sizes=(1,), mode=lax.GatherScatterMode.PROMISE_IN_BOUNDS)

    def bmax(v):
        for k in (8, 4, 2, 1):
            v = jnp.maximum(v, perm(v, ioa ^ k))
        return v

    def bmin(v):
        for k in (8, 4, 2, 1):
            v = jnp.minimum(v, perm(v, ioa ^ k))
        return v

    init = jnp.zeros((16,), jnp.int32)

    @pl.loop(0, _MPW, init_carry=init)
    def map_loop(j, resv0):
        off = base + j * _HW

        h = pltpu.async_copy(x_hbm.at[pl.ds(off, _CH)], buf0, sem0)
        cms = []
        for ch in range(_NCH):
            b = ch % 2
            h.wait()
            if ch + 1 < _NCH:
                nb = (ch + 1) % 2
                h = pltpu.async_copy(
                    x_hbm.at[pl.ds(off + (ch + 1) * _CH, _CH)], bufs[nb], sems[nb])

            def red(i, accs, _b=b):
                return tuple(
                    jnp.maximum(a, bufs[_b][pl.ds((i * _U + k) * 16, 16)])
                    for k, a in enumerate(accs))

            accs = lax.fori_loop(0, _CH // (16 * _U), red,
                                 tuple(neg for _ in range(_U)))
            cvec = accs[0]
            for a in accs[1:]:
                cvec = jnp.maximum(cvec, a)
            cms.append(bmax(cvec)[0])

        m = cms[0]
        for t in range(1, _NCH):
            m = jnp.maximum(m, cms[t])
        mvec = jnp.full((16,), m, jnp.float32)

        wch = jnp.int32(_NCH - 1)
        for ch in range(_NCH - 1, -1, -1):
            wch = jnp.where(cms[ch] == m, jnp.int32(ch), wch)

        pltpu.sync_copy(x_hbm.at[pl.ds(off + wch * _CH, _CH)], buf0)

        def scan(i, best):
            for k in range(_RU):
                p = i * _RU + k
                v = buf0[pl.ds(p * 16, 16)]
                best = jnp.minimum(best, jnp.where(v == mvec, ioa + p * 16, bigi))
            return best

        best = lax.fori_loop(0, _CH // (16 * _RU), scan, bigi)
        bi = bmin(best)[0]
        lin = wch * _CH + bi

        return jnp.where(ioa == j, lin, resv0)

    res[pl.ds(0, 16)] = map_loop
    pltpu.sync_copy(res, out_hbm.at[wid])


def _sc_part(flat_k):
    run = functools.partial(
        pl.kernel,
        out_type=jax.ShapeDtypeStruct((_NW, 16), jnp.int32),
        mesh=plsc.VectorSubcoreMesh(core_axis_name="c", subcore_axis_name="s"),
        scratch_types=[
            pltpu.VMEM((_CH,), jnp.float32),
            pltpu.VMEM((_CH,), jnp.float32),
            pltpu.VMEM((16,), jnp.int32),
            pltpu.SemaphoreType.DMA,
            pltpu.SemaphoreType.DMA,
        ],
    )(_sc_argmax)
    lin = run(flat_k)[:, :_MPW].reshape(_K)
    wi = lin % _W
    hi = lin // _W
    return jnp.stack([wi, hi], axis=-1).astype(jnp.int32)


def _tc_body(x_ref, o_ref):
    nb, h, w = x_ref.shape
    ch = 32
    r = ch // 8
    nc = h // ch
    big = jnp.int32(1 << 20)

    acc = jnp.max(x_ref[...].reshape(nb, h // 8, 8, w), axis=1)
    m = jnp.max(acc, axis=(1, 2))
    mb = m[:, None, None, None]

    jj = jax.lax.broadcasted_iota(jnp.int32, (1, r, 8, w), 1)
    ss = jax.lax.broadcasted_iota(jnp.int32, (1, r, 8, w), 2)
    rowrel = jj * 8 + ss
    best8 = None
    for i in range(nc):
        c4 = x_ref[:, i * ch:(i + 1) * ch, :].reshape(nb, r, 8, w)
        rel = jnp.min(jnp.where(c4 == mb, rowrel, big), axis=1) + i * ch
        best8 = rel if best8 is None else jnp.minimum(best8, rel)

    col = jax.lax.broadcasted_iota(jnp.int32, (1, 8, w), 2)
    idx = jnp.min(jnp.where(best8 < h, best8 * w + col, big), axis=(1, 2))
    wi = idx % w
    hi = idx // w
    sel = jax.lax.broadcasted_iota(jnp.int32, (1, 1, 2), 2)
    o_ref[...] = jnp.where(sel == 0, wi[:, None, None], hi[:, None, None])


def _tc_part(flat_rest):
    n2 = flat_rest.shape[0]
    out = pl.pallas_call(
        _tc_body,
        grid=(n2 // _B,),
        in_specs=[pl.BlockSpec((_B, _H, _W), lambda i: (i, 0, 0))],
        out_specs=pl.BlockSpec((_B, 1, 2), lambda i: (i, 0, 0)),
        out_shape=jax.ShapeDtypeStruct((n2, 1, 2), jnp.int32),
    )(flat_rest)
    return out.reshape(n2, 2)


def kernel(heatmaps):
    b, p, h, w = heatmaps.shape
    n = b * p
    flat = heatmaps.reshape(n, h, w)
    tc_out = _tc_part(flat[_K:])
    sc_out = _sc_part(flat[:_K].reshape(-1))
    return jnp.concatenate([sc_out, tc_out], axis=0).reshape(b, p, 2)

# --- scband reference (transcript-rebuilt; emitter-appended) ---
"""Pipeline reference for scband-spinal-model-base-3367254360224 (READ-ONLY COPY).

The authoritative reference and input builder live on the scoring server;
editing this copy changes nothing except your own understanding.
"""

import jax, jax.numpy as jnp
import numpy as np


def setup_inputs(seed: int = 0) -> dict:
    key = jax.random.key(seed)
    heatmaps = jax.random.normal(key, (32, 17, 384, 384), dtype=jnp.float32)
    return {"heatmaps": heatmaps}


def reference(heatmaps):
    b, p, h, w = heatmaps.shape
    flatten = heatmaps.reshape(b, p, h * w)
    max_indices = jnp.argmax(flatten, axis=-1)  # (b, p)
    flat_idx = max_indices.reshape(-1)
    height_indices = flat_idx // w
    width_indices = flat_idx % w
    preds = jnp.stack([width_indices, height_indices], axis=1)  # (b*p, 2)
    preds = preds.reshape(b, p, 2)
    return preds

if __name__ == "__main__":
    import jax
    _d = setup_inputs()
    print(jax.jit(kernel)(*tuple(_d.values())))

</pallas_src>

<mosaic_0001>
#map = affine_map<(d0, d1) -> (0)>
#map1 = affine_map<(d0, d1) -> (0, 0)>
module attributes {stable_mosaic.version = 14 : i64} {
  func.func @_sc_argmax(%arg0: i32, %arg1: i32, %arg2: memref<14155776xf32, #tpu.memory_space<hbm>>, %arg3: memref<32x16xi32, #tpu.memory_space<hbm>>, %arg4: memref<16384xf32, #tpu.memory_space<vmem>>, %arg5: memref<16384xf32, #tpu.memory_space<vmem>>, %arg6: memref<16xi32, #tpu.memory_space<vmem>>, %arg7: memref<!tpu.dma_semaphore, #tpu.memory_space<semaphore_mem>>, %arg8: memref<!tpu.dma_semaphore, #tpu.memory_space<semaphore_mem>>) attributes {dimension_semantics = [#tpu.dimension_semantics<core_parallel>, #tpu.dimension_semantics<subcore_parallel>], iteration_bounds = array<i64: 2, 16>, scalar_prefetch = 0 : i64, scratch_operands = 5 : i64, tpu.core_type = #tpu.core_type<sc_vector_subcore>, window_params = [{transform_indices = #map}, {transform_indices = #map1}]} {
    %mul3A = arith.constant 2 : i32
    %mul3A_0 = arith.muli %arg1, %mul3A : i32
    %add3A = arith.addi %mul3A_0, %arg0 : i32
    %iota3A = tpu.iota {dimensions = array<i32: 0>} : vector<16xi32>
    %mul3A_1 = arith.constant 442368 : i32
    %mul3A_2 = arith.muli %add3A, %mul3A_1 : i32
    %broadcast_in_dim3A = arith.constant 0xFF800000 : f32
    %broadcast_in_dim3A_3 = vector.broadcast %broadcast_in_dim3A : f32 to vector<16xf32>
    %broadcast_in_dim3A_4 = arith.constant 1073741824 : i32
    %broadcast_in_dim3A_5 = vector.broadcast %broadcast_in_dim3A_4 : i32 to vector<16xi32>
    %broadcast_in_dim3A_6 = arith.constant 0 : i32
    %broadcast_in_dim3A_7 = vector.broadcast %broadcast_in_dim3A_6 : i32 to vector<16xi32>
    %scan3A = arith.constant 0 : i32
    %scan3A_8 = arith.constant 3 : i32
    %scan3A_9 = arith.addi %scan3A, %scan3A_8 : i32
    %scan3A_10 = arith.constant 1 : i32
    %scan3A_11 = scf.for %scan3A_16 = %scan3A to %scan3A_9 step %scan3A_10 iter_args(%scan3A_17 = %broadcast_in_dim3A_7) -> (vector<16xi32>)  : i32 {
      %mul3A_18 = arith.constant 1 : i32
      %mul3A_19 = arith.muli %scan3A_16, %mul3A_18 : i32
      %add3A_20 = arith.constant 0 : i32
      %add3A_21 = arith.addi %add3A_20, %mul3A_19 : i32
      %mul3A_22 = arith.constant 147456 : i32
      %mul3A_23 = arith.muli %add3A_21, %mul3A_22 : i32
      %add3A_24 = arith.addi %mul3A_2, %mul3A_23 : i32
      %dma_start3A = tpu.memref_slice %arg2[%add3A_24] : memref<14155776xf32, #tpu.memory_space<hbm>> -> memref<16384xf32, #tpu.memory_space<hbm>>
      %dma_start3A_25 = tpu.memref_slice %arg2[%add3A_24] : memref<14155776xf32, #tpu.memory_space<hbm>> -> memref<16384xf32, #tpu.memory_space<hbm>>
      tpu.enqueue_dma source(%dma_start3A_25 : memref<16384xf32, #tpu.memory_space<hbm>>) target(%arg4 : memref<16384xf32, #tpu.memory_space<vmem>>) target_semaphore(%arg7 : memref<!tpu.dma_semaphore, #tpu.memory_space<semaphore_mem>>)
      %dma_wait3A = tpu.memref_slice %arg2[%add3A_24] : memref<14155776xf32, #tpu.memory_space<hbm>> -> memref<16384xf32, #tpu.memory_space<hbm>>
      %dma_wait3A_26 = tpu.memref_slice %arg2[%add3A_24] : memref<14155776xf32, #tpu.memory_space<hbm>> -> memref<16384xf32, #tpu.memory_space<hbm>>
      tpu.wait_dma2 semaphore(%arg7 : memref<!tpu.dma_semaphore, #tpu.memory_space<semaphore_mem>>) src(%dma_wait3A_26 : memref<16384xf32, #tpu.memory_space<hbm>>) dst(%arg4 : memref<16384xf32, #tpu.memory_space<vmem>>)
      %add3A_27 = arith.constant 16384 : i32
      %add3A_28 = arith.addi %add3A_24, %add3A_27 : i32
      %dma_start3A_29 = tpu.memref_slice %arg2[%add3A_28] : memref<14155776xf32, #tpu.memory_space<hbm>> -> memref<16384xf32, #tpu.memory_space<hbm>>
      %dma_start3A_30 = tpu.memref_slice %arg2[%add3A_28] : memref<14155776xf32, #tpu.memory_space<hbm>> -> memref<16384xf32, #tpu.memory_space<hbm>>
      tpu.enqueue_dma source(%dma_start3A_30 : memref<16384xf32, #tpu.memory_space<hbm>>) target(%arg5 : memref<16384xf32, #tpu.memory_space<vmem>>) target_semaphore(%arg8 : memref<!tpu.dma_semaphore, #tpu.memory_space<semaphore_mem>>)
      %scan3A_31 = arith.constant 0 : i32
      %scan3A_32 = arith.constant 128 : i32
      %scan3A_33 = arith.addi %scan3A_31, %scan3A_32 : i32
      %scan3A_34 = arith.constant 1 : i32
      %scan3A_35:8 = scf.for %scan3A_536 = %scan3A_31 to %scan3A_33 step %scan3A_34 iter_args(%scan3A_537 = %broadcast_in_dim3A_3, %scan3A_538 = %broadcast_in_dim3A_3, %scan3A_539 = %broadcast_in_dim3A_3, %scan3A_540 = %broadcast_in_dim3A_3, %scan3A_541 = %broadcast_in_dim3A_3, %scan3A_542 = %broadcast_in_dim3A_3, %scan3A_543 = %broadcast_in_dim3A_3, %scan3A_544 = %broadcast_in_dim3A_3) -> (vector<16xf32>, vector<16xf32>, vector<16xf32>, vector<16xf32>, vector<16xf32>, vector<16xf32>, vector<16xf32>, vector<16xf32>)  : i32 {
        %mul3A_545 = arith.constant 8 : i32
        %mul3A_546 = arith.muli %scan3A_536, %mul3A_545 : i32
        %add3A_547 = arith.constant 0 : i32
        %add3A_548 = arith.addi %mul3A_546, %add3A_547 : i32
        %mul3A_549 = arith.constant 16 : i32
        %mul3A_550 = arith.muli %add3A_548, %mul3A_549 : i32
        %get3A = arith.index_cast %mul3A_550 : i32 to index
        %get3A_551 = tpu.vector_load %arg4[%get3A] {strides = array<i32>} : memref<16384xf32, #tpu.memory_space<vmem>>, vector<16xf32>,
        %get3A_552 = vector.shape_cast %get3A_551 : vector<16xf32> to vector<16xf32>
        %max3A_553 = arith.maximumf %scan3A_537, %get3A_552 : vector<16xf32>
        %mul3A_554 = arith.constant 8 : i32
        %mul3A_555 = arith.muli %scan3A_536, %mul3A_554 : i32
        %add3A_556 = arith.constant 1 : i32
        %add3A_557 = arith.addi %mul3A_555, %add3A_556 : i32
        %mul3A_558 = arith.constant 16 : i32
        %mul3A_559 = arith.muli %add3A_557, %mul3A_558 : i32
        %get3A_560 = arith.index_cast %mul3A_559 : i32 to index
        %get3A_561 = tpu.vector_load %arg4[%get3A_560] {strides = array<i32>} : memref<16384xf32, #tpu.memory_space<vmem>>, vector<16xf32>,
        %get3A_562 = vector.shape_cast %get3A_561 : vector<16xf32> to vector<16xf32>
        %max3A_563 = arith.maximumf %scan3A_538, %get3A_562 : vector<16xf32>
        %mul3A_564 = arith.constant 8 : i32
        %mul3A_565 = arith.muli %scan3A_536, %mul3A_564 : i32
        %add3A_566 = arith.constant 2 : i32
        %add3A_567 = arith.addi %mul3A_565, %add3A_566 : i32
        %mul3A_568 = arith.constant 16 : i32
        %mul3A_569 = arith.muli %add3A_567, %mul3A_568 : i32
        %get3A_570 = arith.index_cast %mul3A_569 : i32 to index
        %get3A_571 = tpu.vector_load %arg4[%get3A_570] {strides = array<i32>} : memref<16384xf32, #tpu.memory_space<vmem>>, vector<16xf32>,
        %get3A_572 = vector.shape_cast %get3A_571 : vector<16xf32> to vector<16xf32>
        %max3A_573 = arith.maximumf %scan3A_539, %get3A_572 : vector<16xf32>
        %mul3A_574 = arith.constant 8 : i32
        %mul3A_575 = arith.muli %scan3A_536, %mul3A_574 : i32
        %add3A_576 = arith.constant 3 : i32
        %add3A_577 = arith.addi %mul3A_575, %add3A_576 : i32
        %mul3A_578 = arith.constant 16 : i32
        %mul3A_579 = arith.muli %add3A_577, %mul3A_578 : i32
        %get3A_580 = arith.index_cast %mul3A_579 : i32 to index
        %get3A_581 = tpu.vector_load %arg4[%get3A_580] {strides = array<i32>} : memref<16384xf32, #tpu.memory_space<vmem>>, vector<16xf32>,
        %get3A_582 = vector.shape_cast %get3A_581 : vector<16xf32> to vector<16xf32>
        %max3A_583 = arith.maximumf %scan3A_540, %get3A_582 : vector<16xf32>
        %mul3A_584 = arith.constant 8 : i32
        %mul3A_585 = arith.muli %scan3A_536, %mul3A_584 : i32
        %add3A_586 = arith.constant 4 : i32
        %add3A_587 = arith.addi %mul3A_585, %add3A_586 : i32
        %mul3A_588 = arith.constant 16 : i32
        %mul3A_589 = arith.muli %add3A_587, %mul3A_588 : i32
        %get3A_590 = arith.index_cast %mul3A_589 : i32 to index
        %get3A_591 = tpu.vector_load %arg4[%get3A_590] {strides = array<i32>} : memref<16384xf32, #tpu.memory_space<vmem>>, vector<16xf32>,
        %get3A_592 = vector.shape_cast %get3A_591 : vector<16xf32> to vector<16xf32>
        %max3A_593 = arith.maximumf %scan3A_541, %get3A_592 : vector<16xf32>
        %mul3A_594 = arith.constant 8 : i32
        %mul3A_595 = arith.muli %scan3A_536, %mul3A_594 : i32
        %add3A_596 = arith.constant 5 : i32
        %add3A_597 = arith.addi %mul3A_595, %add3A_596 : i32
        %mul3A_598 = arith.constant 16 : i32
        %mul3A_599 = arith.muli %add3A_597, %mul3A_598 : i32
        %get3A_600 = arith.index_cast %mul3A_599 : i32 to index
        %get3A_601 = tpu.vector_load %arg4[%get3A_600] {strides = array<i32>} : memref<16384xf32, #tpu.memory_space<vmem>>, vector<16xf32>,
        %get3A_602 = vector.shape_cast %get3A_601 : vector<16xf32> to vector<16xf32>
        %max3A_603 = arith.maximumf %scan3A_542, %get3A_602 : vector<16xf32>
        %mul3A_604 = arith.constant 8 : i32
        %mul3A_605 = arith.muli %scan3A_536, %mul3A_604 : i32
        %add3A_606 = arith.constant 6 : i32
        %add3A_607 = arith.addi %mul3A_605, %add3A_606 : i32
        %mul3A_608 = arith.constant 16 : i32
        %mul3A_609 = arith.muli %add3A_607, %mul3A_608 : i32
        %get3A_610 = arith.index_cast %mul3A_609 : i32 to index
        %get3A_611 = tpu.vector_load %arg4[%get3A_610] {strides = array<i32>} : memref<16384xf32, #tpu.memory_space<vmem>>, vector<16xf32>,
        %get3A_612 = vector.shape_cast %get3A_611 : vector<16xf32> to vector<16xf32>
        %max3A_613 = arith.maximumf %scan3A_543, %get3A_612 : vector<16xf32>
        %mul3A_614 = arith.constant 8 : i32
        %mul3A_615 = arith.muli %scan3A_536, %mul3A_614 : i32
        %add3A_616 = arith.constant 7 : i32
        %add3A_617 = arith.addi %mul3A_615, %add3A_616 : i32
        %mul3A_618 = arith.constant 16 : i32
        %mul3A_619 = arith.muli %add3A_617, %mul3A_618 : i32
        %get3A_620 = arith.index_cast %mul3A_619 : i32 to index
        %get3A_621 = tpu.vector_load %arg4[%get3A_620] {strides = array<i32>} : memref<16384xf32, #tpu.memory_space<vmem>>, vector<16xf32>,
        %get3A_622 = vector.shape_cast %get3A_621 : vector<16xf32> to vector<16xf32>
        %max3A_623 = arith.maximumf %scan3A_544, %get3A_622 : vector<16xf32>
        scf.yield %max3A_553, %max3A_563, %max3A_573, %max3A_583, %max3A_593, %max3A_603, %max3A_613, %max3A_623 : vector<16xf32>, vector<16xf32>, vector<16xf32>, vector<16xf32>, vector<16xf32>, vector<16xf32>, vector<16xf32>, vector<16xf32>
      }
      %scan3A_36 = arith.constant 128 : i32
      %max3A = arith.maximumf %scan3A_35#0, %scan3A_35#1 : vector<16xf32>
      %max3A_37 = arith.maximumf %max3A, %scan3A_35#2 : vector<16xf32>
      %max3A_38 = arith.maximumf %max3A_37, %scan3A_35#3 : vector<16xf32>
      %max3A_39 = arith.maximumf %max3A_38, %scan3A_35#4 : vector<16xf32>
      %max3A_40 = arith.maximumf %max3A_39, %scan3A_35#5 : vector<16xf32>
      %max3A_41 = arith.maximumf %max3A_40, %scan3A_35#6 : vector<16xf32>
      %max3A_42 = arith.maximumf %max3A_41, %scan3A_35#7 : vector<16xf32>
      %xor3A = arith.constant 8 : i32
      %xor3A_43 = vector.broadcast %xor3A : i32 to vector<16xi32>
      %xor3A_44 = arith.xori %iota3A, %xor3A_43 : vector<16xi32>
      %broadcast_in_dim3A_45 = vector.shape_cast %xor3A_44 : vector<16xi32> to vector<16x1xi32>
      %gather3A = vector.shape_cast %broadcast_in_dim3A_45 : vector<16x1xi32> to vector<16xi32>
      %gather3A_46 = tpu.dynamic_gather %max3A_42[%gather3A] in [0] : vector<16xf32>, vector<16xi32> -> vector<16xf32>
      %max3A_47 = arith.maximumf %max3A_42, %gather3A_46 : vector<16xf32>
      %xor3A_48 = arith.constant 4 : i32
      %xor3A_49 = vector.broadcast %xor3A_48 : i32 to vector<16xi32>
      %xor3A_50 = arith.xori %iota3A, %xor3A_49 : vector<16xi32>
      %broadcast_in_dim3A_51 = vector.shape_cast %xor3A_50 : vector<16xi32> to vector<16x1xi32>
      %gather3A_52 = vector.shape_cast %broadcast_in_dim3A_51 : vector<16x1xi32> to vector<16xi32>
      %gather3A_53 = tpu.dynamic_gather %max3A_47[%gather3A_52] in [0] : vector<16xf32>, vector<16xi32> -> vector<16xf32>
      %max3A_54 = arith.maximumf %max3A_47, %gather3A_53 : vector<16xf32>
      %xor3A_55 = arith.constant 2 : i32
      %xor3A_56 = vector.broadcast %xor3A_55 : i32 to vector<16xi32>
      %xor3A_57 = arith.xori %iota3A, %xor3A_56 : vector<16xi32>
      %broadcast_in_dim3A_58 = vector.shape_cast %xor3A_57 : vector<16xi32> to vector<16x1xi32>
      %gather3A_59 = vector.shape_cast %broadcast_in_dim3A_58 : vector<16x1xi32> to vector<16xi32>
      %gather3A_60 = tpu.dynamic_gather %max3A_54[%gather3A_59] in [0] : vector<16xf32>, vector<16xi32> -> vector<16xf32>
      %max3A_61 = arith.maximumf %max3A_54, %gather3A_60 : vector<16xf32>
      %xor3A_62 = arith.constant 1 : i32
      %xor3A_63 = vector.broadcast %xor3A_62 : i32 to vector<16xi32>
      %xor3A_64 = arith.xori %iota3A, %xor3A_63 : vector<16xi32>
      %broadcast_in_dim3A_65 = vector.shape_cast %xor3A_64 : vector<16xi32> to vector<16x1xi32>
      %gather3A_66 = vector.shape_cast %broadcast_in_dim3A_65 : vector<16x1xi32> to vector<16xi32>
      %gather3A_67 = tpu.dynamic_gather %max3A_61[%gather3A_66] in [0] : vector<16xf32>, vector<16xi32> -> vector<16xf32>
      %max3A_68 = arith.maximumf %max3A_61, %gather3A_67 : vector<16xf32>
      %slice3A = vector.extract_strided_slice %max3A_68 {offsets = [0], sizes = [1], strides = [1]} : vector<16xf32> to vector<1xf32>
      %squeeze3A = vector.extract %slice3A[0] : f32 from vector<1xf32>
      %dma_wait3A_69 = tpu.memref_slice %arg2[%add3A_28] : memref<14155776xf32, #tpu.memory_space<hbm>> -> memref<16384xf32, #tpu.memory_space<hbm>>
      %dma_wait3A_70 = tpu.memref_slice %arg2[%add3A_28] : memref<14155776xf32, #tpu.memory_space<hbm>> -> memref<16384xf32, #tpu.memory_space<hbm>>
      tpu.wait_dma2 semaphore(%arg8 : memref<!tpu.dma_semaphore, #tpu.memory_space<semaphore_mem>>) src(%dma_wait3A_70 : memref<16384xf32, #tpu.memory_space<hbm>>) dst(%arg5 : memref<16384xf32, #tpu.memory_space<vmem>>)
      %add3A_71 = arith.constant 32768 : i32
      %add3A_72 = arith.addi %add3A_24, %add3A_71 : i32
      %dma_start3A_73 = tpu.memref_slice %arg2[%add3A_72] : memref<14155776xf32, #tpu.memory_space<hbm>> -> memref<16384xf32, #tpu.memory_space<hbm>>
      %dma_start3A_74 = tpu.memref_slice %arg2[%add3A_72] : memref<14155776xf32, #tpu.memory_space<hbm>> -> memref<16384xf32, #tpu.memory_space<hbm>>
      tpu.enqueue_dma source(%dma_start3A_74 : memref<16384xf32, #tpu.memory_space<hbm>>) target(%arg4 : memref<16384xf32, #tpu.memory_space<vmem>>) target_semaphore(%arg7 : memref<!tpu.dma_semaphore, #tpu.memory_space<semaphore_mem>>)
      %scan3A_75 = arith.constant 0 : i32
      %scan3A_76 = arith.constant 128 : i32
      %scan3A_77 = arith.addi %scan3A_75, %scan3A_76 : i32
      %scan3A_78 = arith.constant 1 : i32
      %scan3A_79:8 = scf.for %scan3A_536 = %scan3A_75 to %scan3A_77 step %scan3A_78 iter_args(%scan3A_537 = %broadcast_in_dim3A_3, %scan3A_538 = %broadcast_in_dim3A_3, %scan3A_539 = %broadcast_in_dim3A_3, %scan3A_540 = %broadcast_in_dim3A_3, %scan3A_541 = %broadcast_in_dim3A_3, %scan3A_542 = %broadcast_in_dim3A_3, %scan3A_543 = %broadcast_in_dim3A_3, %scan3A_544 = %broadcast_in_dim3A_3) -> (vector<16xf32>, vector<16xf32>, vector<16xf32>, vector<16xf32>, vector<16xf32>, vector<16xf32>, vector<16xf32>, vector<16xf32>)  : i32 {
        %mul3A_545 = arith.constant 8 : i32
        %mul3A_546 = arith.muli %scan3A_536, %mul3A_545 : i32
        %add3A_547 = arith.constant 0 : i32
        %add3A_548 = arith.addi %mul3A_546, %add3A_547 : i32
        %mul3A_549 = arith.constant 16 : i32
        %mul3A_550 = arith.muli %add3A_548, %mul3A_549 : i32
        %get3A = arith.index_cast %mul3A_550 : i32 to index
        %get3A_551 = tpu.vector_load %arg5[%get3A] {strides = array<i32>} : memref<16384xf32, #tpu.memory_space<vmem>>, vector<16xf32>,
        %get3A_552 = vector.shape_cast %get3A_551 : vector<16xf32> to vector<16xf32>
        %max3A_553 = arith.maximumf %scan3A_537, %get3A_552 : vector<16xf32>
        %mul3A_554 = arith.constant 8 : i32
        %mul3A_555 = arith.muli %scan3A_536, %mul3A_554 : i32
        %add3A_556 = arith.constant 1 : i32
        %add3A_557 = arith.addi %mul3A_555, %add3A_556 : i32
        %mul3A_558 = arith.constant 16 : i32
        %mul3A_559 = arith.muli %add3A_557, %mul3A_558 : i32
        %get3A_560 = arith.index_cast %mul3A_559 : i32 to index
        %get3A_561 = tpu.vector_load %arg5[%get3A_560] {strides = array<i32>} : memref<16384xf32, #tpu.memory_space<vmem>>, vector<16xf32>,
        %get3A_562 = vector.shape_cast %get3A_561 : vector<16xf32> to vector<16xf32>
        %max3A_563 = arith.maximumf %scan3A_538, %get3A_562 : vector<16xf32>
        %mul3A_564 = arith.constant 8 : i32
        %mul3A_565 = arith.muli %scan3A_536, %mul3A_564 : i32
        %add3A_566 = arith.constant 2 : i32
        %add3A_567 = arith.addi %mul3A_565, %add3A_566 : i32
        %mul3A_568 = arith.constant 16 : i32
        %mul3A_569 = arith.muli %add3A_567, %mul3A_568 : i32
        %get3A_570 = arith.index_cast %mul3A_569 : i32 to index
        %get3A_571 = tpu.vector_load %arg5[%get3A_570] {strides = array<i32>} : memref<16384xf32, #tpu.memory_space<vmem>>, vector<16xf32>,
        %get3A_572 = vector.shape_cast %get3A_571 : vector<16xf32> to vector<16xf32>
        %max3A_573 = arith.maximumf %scan3A_539, %get3A_572 : vector<16xf32>
        %mul3A_574 = arith.constant 8 : i32
        %mul3A_575 = arith.muli %scan3A_536, %mul3A_574 : i32
        %add3A_576 = arith.constant 3 : i32
        %add3A_577 = arith.addi %mul3A_575, %add3A_576 : i32
        %mul3A_578 = arith.constant 16 : i32
        %mul3A_579 = arith.muli %add3A_577, %mul3A_578 : i32
        %get3A_580 = arith.index_cast %mul3A_579 : i32 to index
        %get3A_581 = tpu.vector_load %arg5[%get3A_580] {strides = array<i32>} : memref<16384xf32, #tpu.memory_space<vmem>>, vector<16xf32>,
        %get3A_582 = vector.shape_cast %get3A_581 : vector<16xf32> to vector<16xf32>
        %max3A_583 = arith.maximumf %scan3A_540, %get3A_582 : vector<16xf32>
        %mul3A_584 = arith.constant 8 : i32
        %mul3A_585 = arith.muli %scan3A_536, %mul3A_584 : i32
        %add3A_586 = arith.constant 4 : i32
        %add3A_587 = arith.addi %mul3A_585, %add3A_586 : i32
        %mul3A_588 = arith.constant 16 : i32
        %mul3A_589 = arith.muli %add3A_587, %mul3A_588 : i32
        %get3A_590 = arith.index_cast %mul3A_589 : i32 to index
        %get3A_591 = tpu.vector_load %arg5[%get3A_590] {strides = array<i32>} : memref<16384xf32, #tpu.memory_space<vmem>>, vector<16xf32>,
        %get3A_592 = vector.shape_cast %get3A_591 : vector<16xf32> to vector<16xf32>
        %max3A_593 = arith.maximumf %scan3A_541, %get3A_592 : vector<16xf32>
        %mul3A_594 = arith.constant 8 : i32
        %mul3A_595 = arith.muli %scan3A_536, %mul3A_594 : i32
        %add3A_596 = arith.constant 5 : i32
        %add3A_597 = arith.addi %mul3A_595, %add3A_596 : i32
        %mul3A_598 = arith.constant 16 : i32
        %mul3A_599 = arith.muli %add3A_597, %mul3A_598 : i32
        %get3A_600 = arith.index_cast %mul3A_599 : i32 to index
        %get3A_601 = tpu.vector_load %arg5[%get3A_600] {strides = array<i32>} : memref<16384xf32, #tpu.memory_space<vmem>>, vector<16xf32>,
        %get3A_602 = vector.shape_cast %get3A_601 : vector<16xf32> to vector<16xf32>
        %max3A_603 = arith.maximumf %scan3A_542, %get3A_602 : vector<16xf32>
        %mul3A_604 = arith.constant 8 : i32
        %mul3A_605 = arith.muli %scan3A_536, %mul3A_604 : i32
        %add3A_606 = arith.constant 6 : i32
        %add3A_607 = arith.addi %mul3A_605, %add3A_606 : i32
        %mul3A_608 = arith.constant 16 : i32
        %mul3A_609 = arith.muli %add3A_607, %mul3A_608 : i32
        %get3A_610 = arith.index_cast %mul3A_609 : i32 to index
        %get3A_611 = tpu.vector_load %arg5[%get3A_610] {strides = array<i32>} : memref<16384xf32, #tpu.memory_space<vmem>>, vector<16xf32>,
        %get3A_612 = vector.shape_cast %get3A_611 : vector<16xf32> to vector<16xf32>
        %max3A_613 = arith.maximumf %scan3A_543, %get3A_612 : vector<16xf32>
        %mul3A_614 = arith.constant 8 : i32
        %mul3A_615 = arith.muli %scan3A_536, %mul3A_614 : i32
        %add3A_616 = arith.constant 7 : i32
        %add3A_617 = arith.addi %mul3A_615, %add3A_616 : i32
        %mul3A_618 = arith.constant 16 : i32
        %mul3A_619 = arith.muli %add3A_617, %mul3A_618 : i32
        %get3A_620 = arith.index_cast %mul3A_619 : i32 to index
        %get3A_621 = tpu.vector_load %arg5[%get3A_620] {strides = array<i32>} : memref<16384xf32, #tpu.memory_space<vmem>>, vector<16xf32>,
        %get3A_622 = vector.shape_cast %get3A_621 : vector<16xf32> to vector<16xf32>
        %max3A_623 = arith.maximumf %scan3A_544, %get3A_622 : vector<16xf32>
        scf.yield %max3A_553, %max3A_563, %max3A_573, %max3A_583, %max3A_593, %max3A_603, %max3A_613, %max3A_623 : vector<16xf32>, vector<16xf32>, vector<16xf32>, vector<16xf32>, vector<16xf32>, vector<16xf32>, vector<16xf32>, vector<16xf32>
      }
      %scan3A_80 = arith.constant 128 : i32
      %max3A_81 = arith.maximumf %scan3A_79#0, %scan3A_79#1 : vector<16xf32>
      %max3A_82 = arith.maximumf %max3A_81, %scan3A_79#2 : vector<16xf32>
      %max3A_83 = arith.maximumf %max3A_82, %scan3A_79#3 : vector<16xf32>
      %max3A_84 = arith.maximumf %max3A_83, %scan3A_79#4 : vector<16xf32>
      %max3A_85 = arith.maximumf %max3A_84, %scan3A_79#5 : vector<16xf32>
      %max3A_86 = arith.maximumf %max3A_85, %scan3A_79#6 : vector<16xf32>
      %max3A_87 = arith.maximumf %max3A_86, %scan3A_79#7 : vector<16xf32>
      %xor3A_88 = arith.constant 8 : i32
      %xor3A_89 = vector.broadcast %xor3A_88 : i32 to vector<16xi32>
      %xor3A_90 = arith.xori %iota3A, %xor3A_89 : vector<16xi32>
      %broadcast_in_dim3A_91 = vector.shape_cast %xor3A_90 : vector<16xi32> to vector<16x1xi32>
      %gather3A_92 = vector.shape_cast %broadcast_in_dim3A_91 : vector<16x1xi32> to vector<16xi32>
      %gather3A_93 = tpu.dynamic_gather %max3A_87[%gather3A_92] in [0] : vector<16xf32>, vector<16xi32> -> vector<16xf32>
      %max3A_94 = arith.maximumf %max3A_87, %gather3A_93 : vector<16xf32>
      %xor3A_95 = arith.constant 4 : i32
      %xor3A_96 = vector.broadcast %xor3A_95 : i32 to vector<16xi32>
      %xor3A_97 = arith.xori %iota3A, %xor3A_96 : vector<16xi32>
      %broadcast_in_dim3A_98 = vector.shape_cast %xor3A_97 : vector<16xi32> to vector<16x1xi32>
      %gather3A_99 = vector.shape_cast %broadcast_in_dim3A_98 : vector<16x1xi32> to vector<16xi32>
      %gather3A_100 = tpu.dynamic_gather %max3A_94[%gather3A_99] in [0] : vector<16xf32>, vector<16xi32> -> vector<16xf32>
      %max3A_101 = arith.maximumf %max3A_94, %gather3A_100 : vector<16xf32>
      %xor3A_102 = arith.constant 2 : i32
      %xor3A_103 = vector.broadcast %xor3A_102 : i32 to vector<16xi32>
      %xor3A_104 = arith.xori %iota3A, %xor3A_103 : vector<16xi32>
      %broadcast_in_dim3A_105 = vector.shape_cast %xor3A_104 : vector<16xi32> to vector<16x1xi32>
      %gather3A_106 = vector.shape_cast %broadcast_in_dim3A_105 : vector<16x1xi32> to vector<16xi32>
      %gather3A_107 = tpu.dynamic_gather %max3A_101[%gather3A_106] in [0] : vector<16xf32>, vector<16xi32> -> vector<16xf32>
      %max3A_108 = arith.maximumf %max3A_101, %gather3A_107 : vector<16xf32>
      %xor3A_109 = arith.constant 1 : i32
      %xor3A_110 = vector.broadcast %xor3A_109 : i32 to vector<16xi32>
      %xor3A_111 = arith.xori %iota3A, %xor3A_110 : vector<16xi32>
      %broadcast_in_dim3A_112 = vector.shape_cast %xor3A_111 : vector<16xi32> to vector<16x1xi32>
      %gather3A_113 = vector.shape_cast %broadcast_in_dim3A_112 : vector<16x1xi32> to vector<16xi32>
      %gather3A_114 = tpu.dynamic_gather %max3A_108[%gather3A_113] in [0] : vector<16xf32>, vector<16xi32> -> vector<16xf32>
      %max3A_115 = arith.maximumf %max3A_108, %gather3A_114 : vector<16xf32>
      %slice3A_116 = vector.extract_strided_slice %max3A_115 {offsets = [0], sizes = [1], strides = [1]} : vector<16xf32> to vector<1xf32>
      %squeeze3A_117 = vector.extract %slice3A_116[0] : f32 from vector<1xf32>
      %dma_wait3A_118 = tpu.memref_slice %arg2[%add3A_72] : memref<14155776xf32, #tpu.memory_space<hbm>> -> memref<16384xf32, #tpu.memory_space<hbm>>
      %dma_wait3A_119 = tpu.memref_slice %arg2[%add3A_72] : memref<14155776xf32, #tpu.memory_space<hbm>> -> memref<16384xf32, #tpu.memory_space<hbm>>
      tpu.wait_dma2 semaphore(%arg7 : memref<!tpu.dma_semaphore, #tpu.memory_space<semaphore_mem>>) src(%dma_wait3A_119 : memref<16384xf32, #tpu.memory_space<hbm>>) dst(%arg4 : memref<16384xf32, #tpu.memory_space<vmem>>)
      %add3A_120 = arith.constant 49152 : i32
      %add3A_121 = arith.addi %add3A_24, %add3A_120 : i32
      %dma_start3A_122 = tpu.memref_slice %arg2[%add3A_121] : memref<14155776xf32, #tpu.memory_space<hbm>> -> memref<16384xf32, #tpu.memory_space<hbm>>
      %dma_start3A_123 = tpu.memref_slice %arg2[%add3A_121] : memref<14155776xf32, #tpu.memory_space<hbm>> -> memref<16384xf32, #tpu.memory_space<hbm>>
      tpu.enqueue_dma source(%dma_start3A_123 : memref<16384xf32, #tpu.memory_space<hbm>>) target(%arg5 : memref<16384xf32, #tpu.memory_space<vmem>>) target_semaphore(%arg8 : memref<!tpu.dma_semaphore, #tpu.memory_space<semaphore_mem>>)
      %scan3A_124 = arith.constant 0 : i32
      %scan3A_125 = arith.constant 128 : i32
      %scan3A_126 = arith.addi %scan3A_124, %scan3A_125 : i32
      %scan3A_127 = arith.constant 1 : i32
      %scan3A_128:8 = scf.for %scan3A_536 = %scan3A_124 to %scan3A_126 step %scan3A_127 iter_args(%scan3A_537 = %broadcast_in_dim3A_3, %scan3A_538 = %broadcast_in_dim3A_3, %scan3A_539 = %broadcast_in_dim3A_3, %scan3A_540 = %broadcast_in_dim3A_3, %scan3A_541 = %broadcast_in_dim3A_3, %scan3A_542 = %broadcast_in_dim3A_3, %scan3A_543 = %broadcast_in_dim3A_3, %scan3A_544 = %broadcast_in_dim3A_3) -> (vector<16xf32>, vector<16xf32>, vector<16xf32>, vector<16xf32>, vector<16xf32>, vector<16xf32>, vector<16xf32>, vector<16xf32>)  : i32 {
        %mul3A_545 = arith.constant 8 : i32
        %mul3A_546 = arith.muli %scan3A_536, %mul3A_545 : i32
        %add3A_547 = arith.constant 0 : i32
        %add3A_548 = arith.addi %mul3A_546, %add3A_547 : i32
        %mul3A_549 = arith.constant 16 : i32
        %mul3A_550 = arith.muli %add3A_548, %mul3A_549 : i32
        %get3A = arith.index_cast %mul3A_550 : i32 to index
        %get3A_551 = tpu.vector_load %arg4[%get3A] {strides = array<i32>} : memref<16384xf32, #tpu.memory_space<vmem>>, vector<16xf32>,
        %get3A_552 = vector.shape_cast %get3A_551 : vector<16xf32> to vector<16xf32>
        %max3A_553 = arith.maximumf %scan3A_537, %get3A_552 : vector<16xf32>
        %mul3A_554 = arith.constant 8 : i32
        %mul3A_555 = arith.muli %scan3A_536, %mul3A_554 : i32
        %add3A_556 = arith.constant 1 : i32
        %add3A_557 = arith.addi %mul3A_555, %add3A_556 : i32
        %mul3A_558 = arith.constant 16 : i32
        %mul3A_559 = arith.muli %add3A_557, %mul3A_558 : i32
        %get3A_560 = arith.index_cast %mul3A_559 : i32 to index
        %get3A_561 = tpu.vector_load %arg4[%get3A_560] {strides = array<i32>} : memref<16384xf32, #tpu.memory_space<vmem>>, vector<16xf32>,
        %get3A_562 = vector.shape_cast %get3A_561 : vector<16xf32> to vector<16xf32>
        %max3A_563 = arith.maximumf %scan3A_538, %get3A_562 : vector<16xf32>
        %mul3A_564 = arith.constant 8 : i32
        %mul3A_565 = arith.muli %scan3A_536, %mul3A_564 : i32
        %add3A_566 = arith.constant 2 : i32
        %add3A_567 = arith.addi %mul3A_565, %add3A_566 : i32
        %mul3A_568 = arith.constant 16 : i32
        %mul3A_569 = arith.muli %add3A_567, %mul3A_568 : i32
        %get3A_570 = arith.index_cast %mul3A_569 : i32 to index
        %get3A_571 = tpu.vector_load %arg4[%get3A_570] {strides = array<i32>} : memref<16384xf32, #tpu.memory_space<vmem>>, vector<16xf32>,
        %get3A_572 = vector.shape_cast %get3A_571 : vector<16xf32> to vector<16xf32>
        %max3A_573 = arith.maximumf %scan3A_539, %get3A_572 : vector<16xf32>
        %mul3A_574 = arith.constant 8 : i32
        %mul3A_575 = arith.muli %scan3A_536, %mul3A_574 : i32
        %add3A_576 = arith.constant 3 : i32
        %add3A_577 = arith.addi %mul3A_575, %add3A_576 : i32
        %mul3A_578 = arith.constant 16 : i32
        %mul3A_579 = arith.muli %add3A_577, %mul3A_578 : i32
        %get3A_580 = arith.index_cast %mul3A_579 : i32 to index
        %get3A_581 = tpu.vector_load %arg4[%get3A_580] {strides = array<i32>} : memref<16384xf32, #tpu.memory_space<vmem>>, vector<16xf32>,
        %get3A_582 = vector.shape_cast %get3A_581 : vector<16xf32> to vector<16xf32>
        %max3A_583 = arith.maximumf %scan3A_540, %get3A_582 : vector<16xf32>
        %mul3A_584 = arith.constant 8 : i32
        %mul3A_585 = arith.muli %scan3A_536, %mul3A_584 : i32
        %add3A_586 = arith.constant 4 : i32
        %add3A_587 = arith.addi %mul3A_585, %add3A_586 : i32
        %mul3A_588 = arith.constant 16 : i32
        %mul3A_589 = arith.muli %add3A_587, %mul3A_588 : i32
        %get3A_590 = arith.index_cast %mul3A_589 : i32 to index
        %get3A_591 = tpu.vector_load %arg4[%get3A_590] {strides = array<i32>} : memref<16384xf32, #tpu.memory_space<vmem>>, vector<16xf32>,
        %get3A_592 = vector.shape_cast %get3A_591 : vector<16xf32> to vector<16xf32>
        %max3A_593 = arith.maximumf %scan3A_541, %get3A_592 : vector<16xf32>
        %mul3A_594 = arith.constant 8 : i32
        %mul3A_595 = arith.muli %scan3A_536, %mul3A_594 : i32
        %add3A_596 = arith.constant 5 : i32
        %add3A_597 = arith.addi %mul3A_595, %add3A_596 : i32
        %mul3A_598 = arith.constant 16 : i32
        %mul3A_599 = arith.muli %add3A_597, %mul3A_598 : i32
        %get3A_600 = arith.index_cast %mul3A_599 : i32 to index
        %get3A_601 = tpu.vector_load %arg4[%get3A_600] {strides = array<i32>} : memref<16384xf32, #tpu.memory_space<vmem>>, vector<16xf32>,
        %get3A_602 = vector.shape_cast %get3A_601 : vector<16xf32> to vector<16xf32>
        %max3A_603 = arith.maximumf %scan3A_542, %get3A_602 : vector<16xf32>
        %mul3A_604 = arith.constant 8 : i32
        %mul3A_605 = arith.muli %scan3A_536, %mul3A_604 : i32
        %add3A_606 = arith.constant 6 : i32
        %add3A_607 = arith.addi %mul3A_605, %add3A_606 : i32
        %mul3A_608 = arith.constant 16 : i32
        %mul3A_609 = arith.muli %add3A_607, %mul3A_608 : i32
        %get3A_610 = arith.index_cast %mul3A_609 : i32 to index
        %get3A_611 = tpu.vector_load %arg4[%get3A_610] {strides = array<i32>} : memref<16384xf32, #tpu.memory_space<vmem>>, vector<16xf32>,
        %get3A_612 = vector.shape_cast %get3A_611 : vector<16xf32> to vector<16xf32>
        %max3A_613 = arith.maximumf %scan3A_543, %get3A_612 : vector<16xf32>
        %mul3A_614 = arith.constant 8 : i32
        %mul3A_615 = arith.muli %scan3A_536, %mul3A_614 : i32
        %add3A_616 = arith.constant 7 : i32
        %add3A_617 = arith.addi %mul3A_615, %add3A_616 : i32
        %mul3A_618 = arith.constant 16 : i32
        %mul3A_619 = arith.muli %add3A_617, %mul3A_618 : i32
        %get3A_620 = arith.index_cast %mul3A_619 : i32 to index
        %get3A_621 = tpu.vector_load %arg4[%get3A_620] {strides = array<i32>} : memref<16384xf32, #tpu.memory_space<vmem>>, vector<16xf32>,
        %get3A_622 = vector.shape_cast %get3A_621 : vector<16xf32> to vector<16xf32>
        %max3A_623 = arith.maximumf %scan3A_544, %get3A_622 : vector<16xf32>
        scf.yield %max3A_553, %max3A_563, %max3A_573, %max3A_583, %max3A_593, %max3A_603, %max3A_613, %max3A_623 : vector<16xf32>, vector<16xf32>, vector<16xf32>, vector<16xf32>, vector<16xf32>, vector<16xf32>, vector<16xf32>, vector<16xf32>
      }
      %scan3A_129 = arith.constant 128 : i32
      %max3A_130 = arith.maximumf %scan3A_128#0, %scan3A_128#1 : vector<16xf32>
      %max3A_131 = arith.maximumf %max3A_130, %scan3A_128#2 : vector<16xf32>
      %max3A_132 = arith.maximumf %max3A_131, %scan3A_128#3 : vector<16xf32>
      %max3A_133 = arith.maximumf %max3A_132, %scan3A_128#4 : vector<16xf32>
      %max3A_134 = arith.maximumf %max3A_133, %scan3A_128#5 : vector<16xf32>
      %max3A_135 = arith.maximumf %max3A_134, %scan3A_128#6 : vector<16xf32>
      %max3A_136 = arith.maximumf %max3A_135, %scan3A_128#7 : vector<16xf32>
      %xor3A_137 = arith.constant 8 : i32
      %xor3A_138 = vector.broadcast %xor3A_137 : i32 to vector<16xi32>
      %xor3A_139 = arith.xori %iota3A, %xor3A_138 : vector<16xi32>
      %broadcast_in_dim3A_140 = vector.shape_cast %xor3A_139 : vector<16xi32> to vector<16x1xi32>
      %gather3A_141 = vector.shape_cast %broadcast_in_dim3A_140 : vector<16x1xi32> to vector<16xi32>
      %gather3A_142 = tpu.dynamic_gather %max3A_136[%gather3A_141] in [0] : vector<16xf32>, vector<16xi32> -> vector<16xf32>
      %max3A_143 = arith.maximumf %max3A_136, %gather3A_142 : vector<16xf32>
      %xor3A_144 = arith.constant 4 : i32
      %xor3A_145 = vector.broadcast %xor3A_144 : i32 to vector<16xi32>
      %xor3A_146 = arith.xori %iota3A, %xor3A_145 : vector<16xi32>
      %broadcast_in_dim3A_147 = vector.shape_cast %xor3A_146 : vector<16xi32> to vector<16x1xi32>
      %gather3A_148 = vector.shape_cast %broadcast_in_dim3A_147 : vector<16x1xi32> to vector<16xi32>
      %gather3A_149 = tpu.dynamic_gather %max3A_143[%gather3A_148] in [0] : vector<16xf32>, vector<16xi32> -> vector<16xf32>
      %max3A_150 = arith.maximumf %max3A_143, %gather3A_149 : vector<16xf32>
      %xor3A_151 = arith.constant 2 : i32
      %xor3A_152 = vector.broadcast %xor3A_151 : i32 to vector<16xi32>
      %xor3A_153 = arith.xori %iota3A, %xor3A_152 : vector<16xi32>
      %broadcast_in_dim3A_154 = vector.shape_cast %xor3A_153 : vector<16xi32> to vector<16x1xi32>
      %gather3A_155 = vector.shape_cast %broadcast_in_dim3A_154 : vector<16x1xi32> to vector<16xi32>
      %gather3A_156 = tpu.dynamic_gather %max3A_150[%gather3A_155] in [0] : vector<16xf32>, vector<16xi32> -> vector<16xf32>
      %max3A_157 = arith.maximumf %max3A_150, %gather3A_156 : vector<16xf32>
      %xor3A_158 = arith.constant 1 : i32
      %xor3A_159 = vector.broadcast %xor3A_158 : i32 to vector<16xi32>
      %xor3A_160 = arith.xori %iota3A, %xor3A_159 : vector<16xi32>
      %broadcast_in_dim3A_161 = vector.shape_cast %xor3A_160 : vector<16xi32> to vector<16x1xi32>
      %gather3A_162 = vector.shape_cast %broadcast_in_dim3A_161 : vector<16x1xi32> to vector<16xi32>
      %gather3A_163 = tpu.dynamic_gather %max3A_157[%gather3A_162] in [0] : vector<16xf32>, vector<16xi32> -> vector<16xf32>
      %max3A_164 = arith.maximumf %max3A_157, %gather3A_163 : vector<16xf32>
      %slice3A_165 = vector.extract_strided_slice %max3A_164 {offsets = [0], sizes = [1], strides = [1]} : vector<16xf32> to vector<1xf32>
      %squeeze3A_166 = vector.extract %slice3A_165[0] : f32 from vector<1xf32>
      %dma_wait3A_167 = tpu.memref_slice %arg2[%add3A_121] : memref<14155776xf32, #tpu.memory_space<hbm>> -> memref<16384xf32, #tpu.memory_space<hbm>>
      %dma_wait3A_168 = tpu.memref_slice %arg2[%add3A_121] : memref<14155776xf32, #tpu.memory_space<hbm>> -> memref<16384xf32, #tpu.memory_space<hbm>>
      tpu.wait_dma2 semaphore(%arg8 : memref<!tpu.dma_semaphore, #tpu.memory_space<semaphore_mem>>) src(%dma_wait3A_168 : memref<16384xf32, #tpu.memory_space<hbm>>) dst(%arg5 : memref<16384xf32, #tpu.memory_space<vmem>>)
      %add3A_169 = arith.constant 65536 : i32
      %add3A_170 = arith.addi %add3A_24, %add3A_169 : i32
      %dma_start3A_171 = tpu.memref_slice %arg2[%add3A_170] : memref<14155776xf32, #tpu.memory_space<hbm>> -> memref<16384xf32, #tpu.memory_space<hbm>>
      %dma_start3A_172 = tpu.memref_slice %arg2[%add3A_170] : memref<14155776xf32, #tpu.memory_space<hbm>> -> memref<16384xf32, #tpu.memory_space<hbm>>
      tpu.enqueue_dma source(%dma_start3A_172 : memref<16384xf32, #tpu.memory_space<hbm>>) target(%arg4 : memref<16384xf32, #tpu.memory_space<vmem>>) target_semaphore(%arg7 : memref<!tpu.dma_semaphore, #tpu.memory_space<semaphore_mem>>)
      %scan3A_173 = arith.constant 0 : i32
      %scan3A_174 = arith.constant 128 : i32
      %scan3A_175 = arith.addi %scan3A_173, %scan3A_174 : i32
      %scan3A_176 = arith.constant 1 : i32
      %scan3A_177:8 = scf.for %scan3A_536 = %scan3A_173 to %scan3A_175 step %scan3A_176 iter_args(%scan3A_537 = %broadcast_in_dim3A_3, %scan3A_538 = %broadcast_in_dim3A_3, %scan3A_539 = %broadcast_in_dim3A_3, %scan3A_540 = %broadcast_in_dim3A_3, %scan3A_541 = %broadcast_in_dim3A_3, %scan3A_542 = %broadcast_in_dim3A_3, %scan3A_543 = %broadcast_in_dim3A_3, %scan3A_544 = %broadcast_in_dim3A_3) -> (vector<16xf32>, vector<16xf32>, vector<16xf32>, vector<16xf32>, vector<16xf32>, vector<16xf32>, vector<16xf32>, vector<16xf32>)  : i32 {
        %mul3A_545 = arith.constant 8 : i32
        %mul3A_546 = arith.muli %scan3A_536, %mul3A_545 : i32
        %add3A_547 = arith.constant 0 : i32
        %add3A_548 = arith.addi %mul3A_546, %add3A_547 : i32
        %mul3A_549 = arith.constant 16 : i32
        %mul3A_550 = arith.muli %add3A_548, %mul3A_549 : i32
        %get3A = arith.index_cast %mul3A_550 : i32 to index
        %get3A_551 = tpu.vector_load %arg5[%get3A] {strides = array<i32>} : memref<16384xf32, #tpu.memory_space<vmem>>, vector<16xf32>,
        %get3A_552 = vector.shape_cast %get3A_551 : vector<16xf32> to vector<16xf32>
        %max3A_553 = arith.maximumf %scan3A_537, %get3A_552 : vector<16xf32>
        %mul3A_554 = arith.constant 8 : i32
        %mul3A_555 = arith.muli %scan3A_536, %mul3A_554 : i32
        %add3A_556 = arith.constant 1 : i32
        %add3A_557 = arith.addi %mul3A_555, %add3A_556 : i32
        %mul3A_558 = arith.constant 16 : i32
        %mul3A_559 = arith.muli %add3A_557, %mul3A_558 : i32
        %get3A_560 = arith.index_cast %mul3A_559 : i32 to index
        %get3A_561 = tpu.vector_load %arg5[%get3A_560] {strides = array<i32>} : memref<16384xf32, #tpu.memory_space<vmem>>, vector<16xf32>,
        %get3A_562 = vector.shape_cast %get3A_561 : vector<16xf32> to vector<16xf32>
        %max3A_563 = arith.maximumf %scan3A_538, %get3A_562 : vector<16xf32>
        %mul3A_564 = arith.constant 8 : i32
        %mul3A_565 = arith.muli %scan3A_536, %mul3A_564 : i32
        %add3A_566 = arith.constant 2 : i32
        %add3A_567 = arith.addi %mul3A_565, %add3A_566 : i32
        %mul3A_568 = arith.constant 16 : i32
        %mul3A_569 = arith.muli %add3A_567, %mul3A_568 : i32
        %get3A_570 = arith.index_cast %mul3A_569 : i32 to index
        %get3A_571 = tpu.vector_load %arg5[%get3A_570] {strides = array<i32>} : memref<16384xf32, #tpu.memory_space<vmem>>, vector<16xf32>,
        %get3A_572 = vector.shape_cast %get3A_571 : vector<16xf32> to vector<16xf32>
        %max3A_573 = arith.maximumf %scan3A_539, %get3A_572 : vector<16xf32>
        %mul3A_574 = arith.constant 8 : i32
        %mul3A_575 = arith.muli %scan3A_536, %mul3A_574 : i32
        %add3A_576 = arith.constant 3 : i32
        %add3A_577 = arith.addi %mul3A_575, %add3A_576 : i32
        %mul3A_578 = arith.constant 16 : i32
        %mul3A_579 = arith.muli %add3A_577, %mul3A_578 : i32
        %get3A_580 = arith.index_cast %mul3A_579 : i32 to index
        %get3A_581 = tpu.vector_load %arg5[%get3A_580] {strides = array<i32>} : memref<16384xf32, #tpu.memory_space<vmem>>, vector<16xf32>,
        %get3A_582 = vector.shape_cast %get3A_581 : vector<16xf32> to vector<16xf32>
        %max3A_583 = arith.maximumf %scan3A_540, %get3A_582 : vector<16xf32>
        %mul3A_584 = arith.constant 8 : i32
        %mul3A_585 = arith.muli %scan3A_536, %mul3A_584 : i32
        %add3A_586 = arith.constant 4 : i32
        %add3A_587 = arith.addi %mul3A_585, %add3A_586 : i32
        %mul3A_588 = arith.constant 16 : i32
        %mul3A_589 = arith.muli %add3A_587, %mul3A_588 : i32
        %get3A_590 = arith.index_cast %mul3A_589 : i32 to index
        %get3A_591 = tpu.vector_load %arg5[%get3A_590] {strides = array<i32>} : memref<16384xf32, #tpu.memory_space<vmem>>, vector<16xf32>,
        %get3A_592 = vector.shape_cast %get3A_591 : vector<16xf32> to vector<16xf32>
        %max3A_593 = arith.maximumf %scan3A_541, %get3A_592 : vector<16xf32>
        %mul3A_594 = arith.constant 8 : i32
        %mul3A_595 = arith.muli %scan3A_536, %mul3A_594 : i32
        %add3A_596 = arith.constant 5 : i32
        %add3A_597 = arith.addi %mul3A_595, %add3A_596 : i32
        %mul3A_598 = arith.constant 16 : i32
        %mul3A_599 = arith.muli %add3A_597, %mul3A_598 : i32
        %get3A_600 = arith.index_cast %mul3A_599 : i32 to index
        %get3A_601 = tpu.vector_load %arg5[%get3A_600] {strides = array<i32>} : memref<16384xf32, #tpu.memory_space<vmem>>, vector<16xf32>,
        %get3A_602 = vector.shape_cast %get3A_601 : vector<16xf32> to vector<16xf32>
        %max3A_603 = arith.maximumf %scan3A_542, %get3A_602 : vector<16xf32>
        %mul3A_604 = arith.constant 8 : i32
        %mul3A_605 = arith.muli %scan3A_536, %mul3A_604 : i32
        %add3A_606 = arith.constant 6 : i32
        %add3A_607 = arith.addi %mul3A_605, %add3A_606 : i32
        %mul3A_608 = arith.constant 16 : i32
        %mul3A_609 = arith.muli %add3A_607, %mul3A_608 : i32
        %get3A_610 = arith.index_cast %mul3A_609 : i32 to index
        %get3A_611 = tpu.vector_load %arg5[%get3A_610] {strides = array<i32>} : memref<16384xf32, #tpu.memory_space<vmem>>, vector<16xf32>,
        %get3A_612 = vector.shape_cast %get3A_611 : vector<16xf32> to vector<16xf32>
        %max3A_613 = arith.maximumf %scan3A_543, %get3A_612 : vector<16xf32>
        %mul3A_614 = arith.constant 8 : i32
        %mul3A_615 = arith.muli %scan3A_536, %mul3A_614 : i32
        %add3A_616 = arith.constant 7 : i32
        %add3A_617 = arith.addi %mul3A_615, %add3A_616 : i32
        %mul3A_618 = arith.constant 16 : i32
        %mul3A_619 = arith.muli %add3A_617, %mul3A_618 : i32
        %get3A_620 = arith.index_cast %mul3A_619 : i32 to index
        %get3A_621 = tpu.vector_load %arg5[%get3A_620] {strides = array<i32>} : memref<16384xf32, #tpu.memory_space<vmem>>, vector<16xf32>,
        %get3A_622 = vector.shape_cast %get3A_621 : vector<16xf32> to vector<16xf32>
        %max3A_623 = arith.maximumf %scan3A_544, %get3A_622 : vector<16xf32>
        scf.yield %max3A_553, %max3A_563, %max3A_573, %max3A_583, %max3A_593, %max3A_603, %max3A_613, %max3A_623 : vector<16xf32>, vector<16xf32>, vector<16xf32>, vector<16xf32>, vector<16xf32>, vector<16xf32>, vector<16xf32>, vector<16xf32>
      }
      %scan3A_178 = arith.constant 128 : i32
      %max3A_179 = arith.maximumf %scan3A_177#0, %scan3A_177#1 : vector<16xf32>
      %max3A_180 = arith.maximumf %max3A_179, %scan3A_177#2 : vector<16xf32>
      %max3A_181 = arith.maximumf %max3A_180, %scan3A_177#3 : vector<16xf32>
      %max3A_182 = arith.maximumf %max3A_181, %scan3A_177#4 : vector<16xf32>
      %max3A_183 = arith.maximumf %max3A_182, %scan3A_177#5 : vector<16xf32>
      %max3A_184 = arith.maximumf %max3A_183, %scan3A_177#6 : vector<16xf32>
      %max3A_185 = arith.maximumf %max3A_184, %scan3A_177#7 : vector<16xf32>
      %xor3A_186 = arith.constant 8 : i32
      %xor3A_187 = vector.broadcast %xor3A_186 : i32 to vector<16xi32>
      %xor3A_188 = arith.xori %iota3A, %xor3A_187 : vector<16xi32>
      %broadcast_in_dim3A_189 = vector.shape_cast %xor3A_188 : vector<16xi32> to vector<16x1xi32>
      %gather3A_190 = vector.shape_cast %broadcast_in_dim3A_189 : vector<16x1xi32> to vector<16xi32>
      %gather3A_191 = tpu.dynamic_gather %max3A_185[%gather3A_190] in [0] : vector<16xf32>, vector<16xi32> -> vector<16xf32>
      %max3A_192 = arith.maximumf %max3A_185, %gather3A_191 : vector<16xf32>
      %xor3A_193 = arith.constant 4 : i32
      %xor3A_194 = vector.broadcast %xor3A_193 : i32 to vector<16xi32>
      %xor3A_195 = arith.xori %iota3A, %xor3A_194 : vector<16xi32>
      %broadcast_in_dim3A_196 = vector.shape_cast %xor3A_195 : vector<16xi32> to vector<16x1xi32>
      %gather3A_197 = vector.shape_cast %broadcast_in_dim3A_196 : vector<16x1xi32> to vector<16xi32>
      %gather3A_198 = tpu.dynamic_gather %max3A_192[%gather3A_197] in [0] : vector<16xf32>, vector<16xi32> -> vector<16xf32>
      %max3A_199 = arith.maximumf %max3A_192, %gather3A_198 : vector<16xf32>
      %xor3A_200 = arith.constant 2 : i32
      %xor3A_201 = vector.broadcast %xor3A_200 : i32 to vector<16xi32>
      %xor3A_202 = arith.xori %iota3A, %xor3A_201 : vector<16xi32>
      %broadcast_in_dim3A_203 = vector.shape_cast %xor3A_202 : vector<16xi32> to vector<16x1xi32>
      %gather3A_204 = vector.shape_cast %broadcast_in_dim3A_203 : vector<16x1xi32> to vector<16xi32>
      %gather3A_205 = tpu.dynamic_gather %max3A_199[%gather3A_204] in [0] : vector<16xf32>, vector<16xi32> -> vector<16xf32>
      %max3A_206 = arith.maximumf %max3A_199, %gather3A_205 : vector<16xf32>
      %xor3A_207 = arith.constant 1 : i32
      %xor3A_208 = vector.broadcast %xor3A_207 : i32 to vector<16xi32>
      %xor3A_209 = arith.xori %iota3A, %xor3A_208 : vector<16xi32>
      %broadcast_in_dim3A_210 = vector.shape_cast %xor3A_209 : vector<16xi32> to vector<16x1xi32>
      %gather3A_211 = vector.shape_cast %broadcast_in_dim3A_210 : vector<16x1xi32> to vector<16xi32>
      %gather3A_212 = tpu.dynamic_gather %max3A_206[%gather3A_211] in [0] : vector<16xf32>, vector<16xi32> -> vector<16xf32>
      %max3A_213 = arith.maximumf %max3A_206, %gather3A_212 : vector<16xf32>
      %slice3A_214 = vector.extract_strided_slice %max3A_213 {offsets = [0], sizes = [1], strides = [1]} : vector<16xf32> to vector<1xf32>
      %squeeze3A_215 = vector.extract %slice3A_214[0] : f32 from vector<1xf32>
      %dma_wait3A_216 = tpu.memref_slice %arg2[%add3A_170] : memref<14155776xf32, #tpu.memory_space<hbm>> -> memref<16384xf32, #tpu.memory_space<hbm>>
      %dma_wait3A_217 = tpu.memref_slice %arg2[%add3A_170] : memref<14155776xf32, #tpu.memory_space<hbm>> -> memref<16384xf32, #tpu.memory_space<hbm>>
      tpu.wait_dma2 semaphore(%arg7 : memref<!tpu.dma_semaphore, #tpu.memory_space<semaphore_mem>>) src(%dma_wait3A_217 : memref<16384xf32, #tpu.memory_space<hbm>>) dst(%arg4 : memref<16384xf32, #tpu.memory_space<vmem>>)
      %add3A_218 = arith.constant 81920 : i32
      %add3A_219 = arith.addi %add3A_24, %add3A_218 : i32
      %dma_start3A_220 = tpu.memref_slice %arg2[%add3A_219] : memref<14155776xf32, #tpu.memory_space<hbm>> -> memref<16384xf32, #tpu.memory_space<hbm>>
      %dma_start3A_221 = tpu.memref_slice %arg2[%add3A_219] : memref<14155776xf32, #tpu.memory_space<hbm>> -> memref<16384xf32, #tpu.memory_space<hbm>>
      tpu.enqueue_dma source(%dma_start3A_221 : memref<16384xf32, #tpu.memory_space<hbm>>) target(%arg5 : memref<16384xf32, #tpu.memory_space<vmem>>) target_semaphore(%arg8 : memref<!tpu.dma_semaphore, #tpu.memory_space<semaphore_mem>>)
      %scan3A_222 = arith.constant 0 : i32
      %scan3A_223 = arith.constant 128 : i32
      %scan3A_224 = arith.addi %scan3A_222, %scan3A_223 : i32
      %scan3A_225 = arith.constant 1 : i32
      %scan3A_226:8 = scf.for %scan3A_536 = %scan3A_222 to %scan3A_224 step %scan3A_225 iter_args(%scan3A_537 = %broadcast_in_dim3A_3, %scan3A_538 = %broadcast_in_dim3A_3, %scan3A_539 = %broadcast_in_dim3A_3, %scan3A_540 = %broadcast_in_dim3A_3, %scan3A_541 = %broadcast_in_dim3A_3, %scan3A_542 = %broadcast_in_dim3A_3, %scan3A_543 = %broadcast_in_dim3A_3, %scan3A_544 = %broadcast_in_dim3A_3) -> (vector<16xf32>, vector<16xf32>, vector<16xf32>, vector<16xf32>, vector<16xf32>, vector<16xf32>, vector<16xf32>, vector<16xf32>)  : i32 {
        %mul3A_545 = arith.constant 8 : i32
        %mul3A_546 = arith.muli %scan3A_536, %mul3A_545 : i32
        %add3A_547 = arith.constant 0 : i32
        %add3A_548 = arith.addi %mul3A_546, %add3A_547 : i32
        %mul3A_549 = arith.constant 16 : i32
        %mul3A_550 = arith.muli %add3A_548, %mul3A_549 : i32
        %get3A = arith.index_cast %mul3A_550 : i32 to index
        %get3A_551 = tpu.vector_load %arg4[%get3A] {strides = array<i32>} : memref<16384xf32, #tpu.memory_space<vmem>>, vector<16xf32>,
        %get3A_552 = vector.shape_cast %get3A_551 : vector<16xf32> to vector<16xf32>
        %max3A_553 = arith.maximumf %scan3A_537, %get3A_552 : vector<16xf32>
        %mul3A_554 = arith.constant 8 : i32
        %mul3A_555 = arith.muli %scan3A_536, %mul3A_554 : i32
        %add3A_556 = arith.constant 1 : i32
        %add3A_557 = arith.addi %mul3A_555, %add3A_556 : i32
        %mul3A_558 = arith.constant 16 : i32
        %mul3A_559 = arith.muli %add3A_557, %mul3A_558 : i32
        %get3A_560 = arith.index_cast %mul3A_559 : i32 to index
        %get3A_561 = tpu.vector_load %arg4[%get3A_560] {strides = array<i32>} : memref<16384xf32, #tpu.memory_space<vmem>>, vector<16xf32>,
        %get3A_562 = vector.shape_cast %get3A_561 : vector<16xf32> to vector<16xf32>
        %max3A_563 = arith.maximumf %scan3A_538, %get3A_562 : vector<16xf32>
        %mul3A_564 = arith.constant 8 : i32
        %mul3A_565 = arith.muli %scan3A_536, %mul3A_564 : i32
        %add3A_566 = arith.constant 2 : i32
        %add3A_567 = arith.addi %mul3A_565, %add3A_566 : i32
        %mul3A_568 = arith.constant 16 : i32
        %mul3A_569 = arith.muli %add3A_567, %mul3A_568 : i32
        %get3A_570 = arith.index_cast %mul3A_569 : i32 to index
        %get3A_571 = tpu.vector_load %arg4[%get3A_570] {strides = array<i32>} : memref<16384xf32, #tpu.memory_space<vmem>>, vector<16xf32>,
        %get3A_572 = vector.shape_cast %get3A_571 : vector<16xf32> to vector<16xf32>
        %max3A_573 = arith.maximumf %scan3A_539, %get3A_572 : vector<16xf32>
        %mul3A_574 = arith.constant 8 : i32
        %mul3A_575 = arith.muli %scan3A_536, %mul3A_574 : i32
        %add3A_576 = arith.constant 3 : i32
        %add3A_577 = arith.addi %mul3A_575, %add3A_576 : i32
        %mul3A_578 = arith.constant 16 : i32
        %mul3A_579 = arith.muli %add3A_577, %mul3A_578 : i32
        %get3A_580 = arith.index_cast %mul3A_579 : i32 to index
        %get3A_581 = tpu.vector_load %arg4[%get3A_580] {strides = array<i32>} : memref<16384xf32, #tpu.memory_space<vmem>>, vector<16xf32>,
        %get3A_582 = vector.shape_cast %get3A_581 : vector<16xf32> to vector<16xf32>
        %max3A_583 = arith.maximumf %scan3A_540, %get3A_582 : vector<16xf32>
        %mul3A_584 = arith.constant 8 : i32
        %mul3A_585 = arith.muli %scan3A_536, %mul3A_584 : i32
        %add3A_586 = arith.constant 4 : i32
        %add3A_587 = arith.addi %mul3A_585, %add3A_586 : i32
        %mul3A_588 = arith.constant 16 : i32
        %mul3A_589 = arith.muli %add3A_587, %mul3A_588 : i32
        %get3A_590 = arith.index_cast %mul3A_589 : i32 to index
        %get3A_591 = tpu.vector_load %arg4[%get3A_590] {strides = array<i32>} : memref<16384xf32, #tpu.memory_space<vmem>>, vector<16xf32>,
        %get3A_592 = vector.shape_cast %get3A_591 : vector<16xf32> to vector<16xf32>
        %max3A_593 = arith.maximumf %scan3A_541, %get3A_592 : vector<16xf32>
        %mul3A_594 = arith.constant 8 : i32
        %mul3A_595 = arith.muli %scan3A_536, %mul3A_594 : i32
        %add3A_596 = arith.constant 5 : i32
        %add3A_597 = arith.addi %mul3A_595, %add3A_596 : i32
        %mul3A_598 = arith.constant 16 : i32
        %mul3A_599 = arith.muli %add3A_597, %mul3A_598 : i32
        %get3A_600 = arith.index_cast %mul3A_599 : i32 to index
        %get3A_601 = tpu.vector_load %arg4[%get3A_600] {strides = array<i32>} : memref<16384xf32, #tpu.memory_space<vmem>>, vector<16xf32>,
        %get3A_602 = vector.shape_cast %get3A_601 : vector<16xf32> to vector<16xf32>
        %max3A_603 = arith.maximumf %scan3A_542, %get3A_602 : vector<16xf32>
        %mul3A_604 = arith.constant 8 : i32
        %mul3A_605 = arith.muli %scan3A_536, %mul3A_604 : i32
        %add3A_606 = arith.constant 6 : i32
        %add3A_607 = arith.addi %mul3A_605, %add3A_606 : i32
        %mul3A_608 = arith.constant 16 : i32
        %mul3A_609 = arith.muli %add3A_607, %mul3A_608 : i32
        %get3A_610 = arith.index_cast %mul3A_609 : i32 to index
        %get3A_611 = tpu.vector_load %arg4[%get3A_610] {strides = array<i32>} : memref<16384xf32, #tpu.memory_space<vmem>>, vector<16xf32>,
        %get3A_612 = vector.shape_cast %get3A_611 : vector<16xf32> to vector<16xf32>
        %max3A_613 = arith.maximumf %scan3A_543, %get3A_612 : vector<16xf32>
        %mul3A_614 = arith.constant 8 : i32
        %mul3A_615 = arith.muli %scan3A_536, %mul3A_614 : i32
        %add3A_616 = arith.constant 7 : i32
        %add3A_617 = arith.addi %mul3A_615, %add3A_616 : i32
        %mul3A_618 = arith.constant 16 : i32
        %mul3A_619 = arith.muli %add3A_617, %mul3A_618 : i32
        %get3A_620 = arith.index_cast %mul3A_619 : i32 to index
        %get3A_621 = tpu.vector_load %arg4[%get3A_620] {strides = array<i32>} : memref<16384xf32, #tpu.memory_space<vmem>>, vector<16xf32>,
        %get3A_622 = vector.shape_cast %get3A_621 : vector<16xf32> to vector<16xf32>
        %max3A_623 = arith.maximumf %scan3A_544, %get3A_622 : vector<16xf32>
        scf.yield %max3A_553, %max3A_563, %max3A_573, %max3A_583, %max3A_593, %max3A_603, %max3A_613, %max3A_623 : vector<16xf32>, vector<16xf32>, vector<16xf32>, vector<16xf32>, vector<16xf32>, vector<16xf32>, vector<16xf32>, vector<16xf32>
      }
      %scan3A_227 = arith.constant 128 : i32
      %max3A_228 = arith.maximumf %scan3A_226#0, %scan3A_226#1 : vector<16xf32>
      %max3A_229 = arith.maximumf %max3A_228, %scan3A_226#2 : vector<16xf32>
      %max3A_230 = arith.maximumf %max3A_229, %scan3A_226#3 : vector<16xf32>
      %max3A_231 = arith.maximumf %max3A_230, %scan3A_226#4 : vector<16xf32>
      %max3A_232 = arith.maximumf %max3A_231, %scan3A_226#5 : vector<16xf32>
      %max3A_233 = arith.maximumf %max3A_232, %scan3A_226#6 : vector<16xf32>
      %max3A_234 = arith.maximumf %max3A_233, %scan3A_226#7 : vector<16xf32>
      %xor3A_235 = arith.constant 8 : i32
      %xor3A_236 = vector.broadcast %xor3A_235 : i32 to vector<16xi32>
      %xor3A_237 = arith.xori %iota3A, %xor3A_236 : vector<16xi32>
      %broadcast_in_dim3A_238 = vector.shape_cast %xor3A_237 : vector<16xi32> to vector<16x1xi32>
      %gather3A_239 = vector.shape_cast %broadcast_in_dim3A_238 : vector<16x1xi32> to vector<16xi32>
      %gather3A_240 = tpu.dynamic_gather %max3A_234[%gather3A_239] in [0] : vector<16xf32>, vector<16xi32> -> vector<16xf32>
      %max3A_241 = arith.maximumf %max3A_234, %gather3A_240 : vector<16xf32>
      %xor3A_242 = arith.constant 4 : i32
      %xor3A_243 = vector.broadcast %xor3A_242 : i32 to vector<16xi32>
      %xor3A_244 = arith.xori %iota3A, %xor3A_243 : vector<16xi32>
      %broadcast_in_dim3A_245 = vector.shape_cast %xor3A_244 : vector<16xi32> to vector<16x1xi32>
      %gather3A_246 = vector.shape_cast %broadcast_in_dim3A_245 : vector<16x1xi32> to vector<16xi32>
      %gather3A_247 = tpu.dynamic_gather %max3A_241[%gather3A_246] in [0] : vector<16xf32>, vector<16xi32> -> vector<16xf32>
      %max3A_248 = arith.maximumf %max3A_241, %gather3A_247 : vector<16xf32>
      %xor3A_249 = arith.constant 2 : i32
      %xor3A_250 = vector.broadcast %xor3A_249 : i32 to vector<16xi32>
      %xor3A_251 = arith.xori %iota3A, %xor3A_250 : vector<16xi32>
      %broadcast_in_dim3A_252 = vector.shape_cast %xor3A_251 : vector<16xi32> to vector<16x1xi32>
      %gather3A_253 = vector.shape_cast %broadcast_in_dim3A_252 : vector<16x1xi32> to vector<16xi32>
      %gather3A_254 = tpu.dynamic_gather %max3A_248[%gather3A_253] in [0] : vector<16xf32>, vector<16xi32> -> vector<16xf32>
      %max3A_255 = arith.maximumf %max3A_248, %gather3A_254 : vector<16xf32>
      %xor3A_256 = arith.constant 1 : i32
      %xor3A_257 = vector.broadcast %xor3A_256 : i32 to vector<16xi32>
      %xor3A_258 = arith.xori %iota3A, %xor3A_257 : vector<16xi32>
      %broadcast_in_dim3A_259 = vector.shape_cast %xor3A_258 : vector<16xi32> to vector<16x1xi32>
      %gather3A_260 = vector.shape_cast %broadcast_in_dim3A_259 : vector<16x1xi32> to vector<16xi32>
      %gather3A_261 = tpu.dynamic_gather %max3A_255[%gather3A_260] in [0] : vector<16xf32>, vector<16xi32> -> vector<16xf32>
      %max3A_262 = arith.maximumf %max3A_255, %gather3A_261 : vector<16xf32>
      %slice3A_263 = vector.extract_strided_slice %max3A_262 {offsets = [0], sizes = [1], strides = [1]} : vector<16xf32> to vector<1xf32>
      %squeeze3A_264 = vector.extract %slice3A_263[0] : f32 from vector<1xf32>
      %dma_wait3A_265 = tpu.memref_slice %arg2[%add3A_219] : memref<14155776xf32, #tpu.memory_space<hbm>> -> memref<16384xf32, #tpu.memory_space<hbm>>
      %dma_wait3A_266 = tpu.memref_slice %arg2[%add3A_219] : memref<14155776xf32, #tpu.memory_space<hbm>> -> memref<16384xf32, #tpu.memory_space<hbm>>
      tpu.wait_dma2 semaphore(%arg8 : memref<!tpu.dma_semaphore, #tpu.memory_space<semaphore_mem>>) src(%dma_wait3A_266 : memref<16384xf32, #tpu.memory_space<hbm>>) dst(%arg5 : memref<16384xf32, #tpu.memory_space<vmem>>)
      %add3A_267 = arith.constant 98304 : i32
      %add3A_268 = arith.addi %add3A_24, %add3A_267 : i32
      %dma_start3A_269 = tpu.memref_slice %arg2[%add3A_268] : memref<14155776xf32, #tpu.memory_space<hbm>> -> memref<16384xf32, #tpu.memory_space<hbm>>
      %dma_start3A_270 = tpu.memref_slice %arg2[%add3A_268] : memref<14155776xf32, #tpu.memory_space<hbm>> -> memref<16384xf32, #tpu.memory_space<hbm>>
      tpu.enqueue_dma source(%dma_start3A_270 : memref<16384xf32, #tpu.memory_space<hbm>>) target(%arg4 : memref<16384xf32, #tpu.memory_space<vmem>>) target_semaphore(%arg7 : memref<!tpu.dma_semaphore, #tpu.memory_space<semaphore_mem>>)
      %scan3A_271 = arith.constant 0 : i32
      %scan3A_272 = arith.constant 128 : i32
      %scan3A_273 = arith.addi %scan3A_271, %scan3A_272 : i32
      %scan3A_274 = arith.constant 1 : i32
      %scan3A_275:8 = scf.for %scan3A_536 = %scan3A_271 to %scan3A_273 step %scan3A_274 iter_args(%scan3A_537 = %broadcast_in_dim3A_3, %scan3A_538 = %broadcast_in_dim3A_3, %scan3A_539 = %broadcast_in_dim3A_3, %scan3A_540 = %broadcast_in_dim3A_3, %scan3A_541 = %broadcast_in_dim3A_3, %scan3A_542 = %broadcast_in_dim3A_3, %scan3A_543 = %broadcast_in_dim3A_3, %scan3A_544 = %broadcast_in_dim3A_3) -> (vector<16xf32>, vector<16xf32>, vector<16xf32>, vector<16xf32>, vector<16xf32>, vector<16xf32>, vector<16xf32>, vector<16xf32>)  : i32 {
        %mul3A_545 = arith.constant 8 : i32
        %mul3A_546 = arith.muli %scan3A_536, %mul3A_545 : i32
        %add3A_547 = arith.constant 0 : i32
        %add3A_548 = arith.addi %mul3A_546, %add3A_547 : i32
        %mul3A_549 = arith.constant 16 : i32
        %mul3A_550 = arith.muli %add3A_548, %mul3A_549 : i32
        %get3A = arith.index_cast %mul3A_550 : i32 to index
        %get3A_551 = tpu.vector_load %arg5[%get3A] {strides = array<i32>} : memref<16384xf32, #tpu.memory_space<vmem>>, vector<16xf32>,
        %get3A_552 = vector.shape_cast %get3A_551 : vector<16xf32> to vector<16xf32>
        %max3A_553 = arith.maximumf %scan3A_537, %get3A_552 : vector<16xf32>
        %mul3A_554 = arith.constant 8 : i32
        %mul3A_555 = arith.muli %scan3A_536, %mul3A_554 : i32
        %add3A_556 = arith.constant 1 : i32
        %add3A_557 = arith.addi %mul3A_555, %add3A_556 : i32
        %mul3A_558 = arith.constant 16 : i32
        %mul3A_559 = arith.muli %add3A_557, %mul3A_558 : i32
        %get3A_560 = arith.index_cast %mul3A_559 : i32 to index
        %get3A_561 = tpu.vector_load %arg5[%get3A_560] {strides = array<i32>} : memref<16384xf32, #tpu.memory_space<vmem>>, vector<16xf32>,
        %get3A_562 = vector.shape_cast %get3A_561 : vector<16xf32> to vector<16xf32>
        %max3A_563 = arith.maximumf %scan3A_538, %get3A_562 : vector<16xf32>
        %mul3A_564 = arith.constant 8 : i32
        %mul3A_565 = arith.muli %scan3A_536, %mul3A_564 : i32
        %add3A_566 = arith.constant 2 : i32
        %add3A_567 = arith.addi %mul3A_565, %add3A_566 : i32
        %mul3A_568 = arith.constant 16 : i32
        %mul3A_569 = arith.muli %add3A_567, %mul3A_568 : i32
        %get3A_570 = arith.index_cast %mul3A_569 : i32 to index
        %get3A_571 = tpu.vector_load %arg5[%get3A_570] {strides = array<i32>} : memref<16384xf32, #tpu.memory_space<vmem>>, vector<16xf32>,
        %get3A_572 = vector.shape_cast %get3A_571 : vector<16xf32> to vector<16xf32>
        %max3A_573 = arith.maximumf %scan3A_539, %get3A_572 : vector<16xf32>
        %mul3A_574 = arith.constant 8 : i32
        %mul3A_575 = arith.muli %scan3A_536, %mul3A_574 : i32
        %add3A_576 = arith.constant 3 : i32
        %add3A_577 = arith.addi %mul3A_575, %add3A_576 : i32
        %mul3A_578 = arith.constant 16 : i32
        %mul3A_579 = arith.muli %add3A_577, %mul3A_578 : i32
        %get3A_580 = arith.index_cast %mul3A_579 : i32 to index
        %get3A_581 = tpu.vector_load %arg5[%get3A_580] {strides = array<i32>} : memref<16384xf32, #tpu.memory_space<vmem>>, vector<16xf32>,
        %get3A_582 = vector.shape_cast %get3A_581 : vector<16xf32> to vector<16xf32>
        %max3A_583 = arith.maximumf %scan3A_540, %get3A_582 : vector<16xf32>
        %mul3A_584 = arith.constant 8 : i32
        %mul3A_585 = arith.muli %scan3A_536, %mul3A_584 : i32
        %add3A_586 = arith.constant 4 : i32
        %add3A_587 = arith.addi %mul3A_585, %add3A_586 : i32
        %mul3A_588 = arith.constant 16 : i32
        %mul3A_589 = arith.muli %add3A_587, %mul3A_588 : i32
        %get3A_590 = arith.index_cast %mul3A_589 : i32 to index
        %get3A_591 = tpu.vector_load %arg5[%get3A_590] {strides = array<i32>} : memref<16384xf32, #tpu.memory_space<vmem>>, vector<16xf32>,
        %get3A_592 = vector.shape_cast %get3A_591 : vector<16xf32> to vector<16xf32>
        %max3A_593 = arith.maximumf %scan3A_541, %get3A_592 : vector<16xf32>
        %mul3A_594 = arith.constant 8 : i32
        %mul3A_595 = arith.muli %scan3A_536, %mul3A_594 : i32
        %add3A_596 = arith.constant 5 : i32
        %add3A_597 = arith.addi %mul3A_595, %add3A_596 : i32
        %mul3A_598 = arith.constant 16 : i32
        %mul3A_599 = arith.muli %add3A_597, %mul3A_598 : i32
        %get3A_600 = arith.index_cast %mul3A_599 : i32 to index
        %get3A_601 = tpu.vector_load %arg5[%get3A_600] {strides = array<i32>} : memref<16384xf32, #tpu.memory_space<vmem>>, vector<16xf32>,
        %get3A_602 = vector.shape_cast %get3A_601 : vector<16xf32> to vector<16xf32>
        %max3A_603 = arith.maximumf %scan3A_542, %get3A_602 : vector<16xf32>
        %mul3A_604 = arith.constant 8 : i32
        %mul3A_605 = arith.muli %scan3A_536, %mul3A_604 : i32
        %add3A_606 = arith.constant 6 : i32
        %add3A_607 = arith.addi %mul3A_605, %add3A_606 : i32
        %mul3A_608 = arith.constant 16 : i32
        %mul3A_609 = arith.muli %add3A_607, %mul3A_608 : i32
        %get3A_610 = arith.index_cast %mul3A_609 : i32 to index
        %get3A_611 = tpu.vector_load %arg5[%get3A_610] {strides = array<i32>} : memref<16384xf32, #tpu.memory_space<vmem>>, vector<16xf32>,
        %get3A_612 = vector.shape_cast %get3A_611 : vector<16xf32> to vector<16xf32>
        %max3A_613 = arith.maximumf %scan3A_543, %get3A_612 : vector<16xf32>
        %mul3A_614 = arith.constant 8 : i32
        %mul3A_615 = arith.muli %scan3A_536, %mul3A_614 : i32
        %add3A_616 = arith.constant 7 : i32
        %add3A_617 = arith.addi %mul3A_615, %add3A_616 : i32
        %mul3A_618 = arith.constant 16 : i32
        %mul3A_619 = arith.muli %add3A_617, %mul3A_618 : i32
        %get3A_620 = arith.index_cast %mul3A_619 : i32 to index
        %get3A_621 = tpu.vector_load %arg5[%get3A_620] {strides = array<i32>} : memref<16384xf32, #tpu.memory_space<vmem>>, vector<16xf32>,
        %get3A_622 = vector.shape_cast %get3A_621 : vector<16xf32> to vector<16xf32>
        %max3A_623 = arith.maximumf %scan3A_544, %get3A_622 : vector<16xf32>
        scf.yield %max3A_553, %max3A_563, %max3A_573, %max3A_583, %max3A_593, %max3A_603, %max3A_613, %max3A_623 : vector<16xf32>, vector<16xf32>, vector<16xf32>, vector<16xf32>, vector<16xf32>, vector<16xf32>, vector<16xf32>, vector<16xf32>
      }
      %scan3A_276 = arith.constant 128 : i32
      %max3A_277 = arith.maximumf %scan3A_275#0, %scan3A_275#1 : vector<16xf32>
      %max3A_278 = arith.maximumf %max3A_277, %scan3A_275#2 : vector<16xf32>
      %max3A_279 = arith.maximumf %max3A_278, %scan3A_275#3 : vector<16xf32>
      %max3A_280 = arith.maximumf %max3A_279, %scan3A_275#4 : vector<16xf32>
      %max3A_281 = arith.maximumf %max3A_280, %scan3A_275#5 : vector<16xf32>
      %max3A_282 = arith.maximumf %max3A_281, %scan3A_275#6 : vector<16xf32>
      %max3A_283 = arith.maximumf %max3A_282, %scan3A_275#7 : vector<16xf32>
      %xor3A_284 = arith.constant 8 : i32
      %xor3A_285 = vector.broadcast %xor3A_284 : i32 to vector<16xi32>
      %xor3A_286 = arith.xori %iota3A, %xor3A_285 : vector<16xi32>
      %broadcast_in_dim3A_287 = vector.shape_cast %xor3A_286 : vector<16xi32> to vector<16x1xi32>
      %gather3A_288 = vector.shape_cast %broadcast_in_dim3A_287 : vector<16x1xi32> to vector<16xi32>
      %gather3A_289 = tpu.dynamic_gather %max3A_283[%gather3A_288] in [0] : vector<16xf32>, vector<16xi32> -> vector<16xf32>
      %max3A_290 = arith.maximumf %max3A_283, %gather3A_289 : vector<16xf32>
      %xor3A_291 = arith.constant 4 : i32
      %xor3A_292 = vector.broadcast %xor3A_291 : i32 to vector<16xi32>
      %xor3A_293 = arith.xori %iota3A, %xor3A_292 : vector<16xi32>
      %broadcast_in_dim3A_294 = vector.shape_cast %xor3A_293 : vector<16xi32> to vector<16x1xi32>
      %gather3A_295 = vector.shape_cast %broadcast_in_dim3A_294 : vector<16x1xi32> to vector<16xi32>
      %gather3A_296 = tpu.dynamic_gather %max3A_290[%gather3A_295] in [0] : vector<16xf32>, vector<16xi32> -> vector<16xf32>
      %max3A_297 = arith.maximumf %max3A_290, %gather3A_296 : vector<16xf32>
      %xor3A_298 = arith.constant 2 : i32
      %xor3A_299 = vector.broadcast %xor3A_298 : i32 to vector<16xi32>
      %xor3A_300 = arith.xori %iota3A, %xor3A_299 : vector<16xi32>
      %broadcast_in_dim3A_301 = vector.shape_cast %xor3A_300 : vector<16xi32> to vector<16x1xi32>
      %gather3A_302 = vector.shape_cast %broadcast_in_dim3A_301 : vector<16x1xi32> to vector<16xi32>
      %gather3A_303 = tpu.dynamic_gather %max3A_297[%gather3A_302] in [0] : vector<16xf32>, vector<16xi32> -> vector<16xf32>
      %max3A_304 = arith.maximumf %max3A_297, %gather3A_303 : vector<16xf32>
      %xor3A_305 = arith.constant 1 : i32
      %xor3A_306 = vector.broadcast %xor3A_305 : i32 to vector<16xi32>
      %xor3A_307 = arith.xori %iota3A, %xor3A_306 : vector<16xi32>
      %broadcast_in_dim3A_308 = vector.shape_cast %xor3A_307 : vector<16xi32> to vector<16x1xi32>
      %gather3A_309 = vector.shape_cast %broadcast_in_dim3A_308 : vector<16x1xi32> to vector<16xi32>
      %gather3A_310 = tpu.dynamic_gather %max3A_304[%gather3A_309] in [0] : vector<16xf32>, vector<16xi32> -> vector<16xf32>
      %max3A_311 = arith.maximumf %max3A_304, %gather3A_310 : vector<16xf32>
      %slice3A_312 = vector.extract_strided_slice %max3A_311 {offsets = [0], sizes = [1], strides = [1]} : vector<16xf32> to vector<1xf32>
      %squeeze3A_313 = vector.extract %slice3A_312[0] : f32 from vector<1xf32>
      %dma_wait3A_314 = tpu.memref_slice %arg2[%add3A_268] : memref<14155776xf32, #tpu.memory_space<hbm>> -> memref<16384xf32, #tpu.memory_space<hbm>>
      %dma_wait3A_315 = tpu.memref_slice %arg2[%add3A_268] : memref<14155776xf32, #tpu.memory_space<hbm>> -> memref<16384xf32, #tpu.memory_space<hbm>>
      tpu.wait_dma2 semaphore(%arg7 : memref<!tpu.dma_semaphore, #tpu.memory_space<semaphore_mem>>) src(%dma_wait3A_315 : memref<16384xf32, #tpu.memory_space<hbm>>) dst(%arg4 : memref<16384xf32, #tpu.memory_space<vmem>>)
      %add3A_316 = arith.constant 114688 : i32
      %add3A_317 = arith.addi %add3A_24, %add3A_316 : i32
      %dma_start3A_318 = tpu.memref_slice %arg2[%add3A_317] : memref<14155776xf32, #tpu.memory_space<hbm>> -> memref<16384xf32, #tpu.memory_space<hbm>>
      %dma_start3A_319 = tpu.memref_slice %arg2[%add3A_317] : memref<14155776xf32, #tpu.memory_space<hbm>> -> memref<16384xf32, #tpu.memory_space<hbm>>
      tpu.enqueue_dma source(%dma_start3A_319 : memref<16384xf32, #tpu.memory_space<hbm>>) target(%arg5 : memref<16384xf32, #tpu.memory_space<vmem>>) target_semaphore(%arg8 : memref<!tpu.dma_semaphore, #tpu.memory_space<semaphore_mem>>)
      %scan3A_320 = arith.constant 0 : i32
      %scan3A_321 = arith.constant 128 : i32
      %scan3A_322 = arith.addi %scan3A_320, %scan3A_321 : i32
      %scan3A_323 = arith.constant 1 : i32
      %scan3A_324:8 = scf.for %scan3A_536 = %scan3A_320 to %scan3A_322 step %scan3A_323 iter_args(%scan3A_537 = %broadcast_in_dim3A_3, %scan3A_538 = %broadcast_in_dim3A_3, %scan3A_539 = %broadcast_in_dim3A_3, %scan3A_540 = %broadcast_in_dim3A_3, %scan3A_541 = %broadcast_in_dim3A_3, %scan3A_542 = %broadcast_in_dim3A_3, %scan3A_543 = %broadcast_in_dim3A_3, %scan3A_544 = %broadcast_in_dim3A_3) -> (vector<16xf32>, vector<16xf32>, vector<16xf32>, vector<16xf32>, vector<16xf32>, vector<16xf32>, vector<16xf32>, vector<16xf32>)  : i32 {
        %mul3A_545 = arith.constant 8 : i32
        %mul3A_546 = arith.muli %scan3A_536, %mul3A_545 : i32
        %add3A_547 = arith.constant 0 : i32
        %add3A_548 = arith.addi %mul3A_546, %add3A_547 : i32
        %mul3A_549 = arith.constant 16 : i32
        %mul3A_550 = arith.muli %add3A_548, %mul3A_549 : i32
        %get3A = arith.index_cast %mul3A_550 : i32 to index
        %get3A_551 = tpu.vector_load %arg4[%get3A] {strides = array<i32>} : memref<16384xf32, #tpu.memory_space<vmem>>, vector<16xf32>,
        %get3A_552 = vector.shape_cast %get3A_551 : vector<16xf32> to vector<16xf32>
        %max3A_553 = arith.maximumf %scan3A_537, %get3A_552 : vector<16xf32>
        %mul3A_554 = arith.constant 8 : i32
        %mul3A_555 = arith.muli %scan3A_536, %mul3A_554 : i32
        %add3A_556 = arith.constant 1 : i32
        %add3A_557 = arith.addi %mul3A_555, %add3A_556 : i32
        %mul3A_558 = arith.constant 16 : i32
        %mul3A_559 = arith.muli %add3A_557, %mul3A_558 : i32
        %get3A_560 = arith.index_cast %mul3A_559 : i32 to index
        %get3A_561 = tpu.vector_load %arg4[%get3A_560] {strides = array<i32>} : memref<16384xf32, #tpu.memory_space<vmem>>, vector<16xf32>,
        %get3A_562 = vector.shape_cast %get3A_561 : vector<16xf32> to vector<16xf32>
        %max3A_563 = arith.maximumf %scan3A_538, %get3A_562 : vector<16xf32>
        %mul3A_564 = arith.constant 8 : i32
        %mul3A_565 = arith.muli %scan3A_536, %mul3A_564 : i32
        %add3A_566 = arith.constant 2 : i32
        %add3A_567 = arith.addi %mul3A_565, %add3A_566 : i32
        %mul3A_568 = arith.constant 16 : i32
        %mul3A_569 = arith.muli %add3A_567, %mul3A_568 : i32
        %get3A_570 = arith.index_cast %mul3A_569 : i32 to index
        %get3A_571 = tpu.vector_load %arg4[%get3A_570] {strides = array<i32>} : memref<16384xf32, #tpu.memory_space<vmem>>, vector<16xf32>,
        %get3A_572 = vector.shape_cast %get3A_571 : vector<16xf32> to vector<16xf32>
        %max3A_573 = arith.maximumf %scan3A_539, %get3A_572 : vector<16xf32>
        %mul3A_574 = arith.constant 8 : i32
        %mul3A_575 = arith.muli %scan3A_536, %mul3A_574 : i32
        %add3A_576 = arith.constant 3 : i32
        %add3A_577 = arith.addi %mul3A_575, %add3A_576 : i32
        %mul3A_578 = arith.constant 16 : i32
        %mul3A_579 = arith.muli %add3A_577, %mul3A_578 : i32
        %get3A_580 = arith.index_cast %mul3A_579 : i32 to index
        %get3A_581 = tpu.vector_load %arg4[%get3A_580] {strides = array<i32>} : memref<16384xf32, #tpu.memory_space<vmem>>, vector<16xf32>,
        %get3A_582 = vector.shape_cast %get3A_581 : vector<16xf32> to vector<16xf32>
        %max3A_583 = arith.maximumf %scan3A_540, %get3A_582 : vector<16xf32>
        %mul3A_584 = arith.constant 8 : i32
        %mul3A_585 = arith.muli %scan3A_536, %mul3A_584 : i32
        %add3A_586 = arith.constant 4 : i32
        %add3A_587 = arith.addi %mul3A_585, %add3A_586 : i32
        %mul3A_588 = arith.constant 16 : i32
        %mul3A_589 = arith.muli %add3A_587, %mul3A_588 : i32
        %get3A_590 = arith.index_cast %mul3A_589 : i32 to index
        %get3A_591 = tpu.vector_load %arg4[%get3A_590] {strides = array<i32>} : memref<16384xf32, #tpu.memory_space<vmem>>, vector<16xf32>,
        %get3A_592 = vector.shape_cast %get3A_591 : vector<16xf32> to vector<16xf32>
        %max3A_593 = arith.maximumf %scan3A_541, %get3A_592 : vector<16xf32>
        %mul3A_594 = arith.constant 8 : i32
        %mul3A_595 = arith.muli %scan3A_536, %mul3A_594 : i32
        %add3A_596 = arith.constant 5 : i32
        %add3A_597 = arith.addi %mul3A_595, %add3A_596 : i32
        %mul3A_598 = arith.constant 16 : i32
        %mul3A_599 = arith.muli %add3A_597, %mul3A_598 : i32
        %get3A_600 = arith.index_cast %mul3A_599 : i32 to index
        %get3A_601 = tpu.vector_load %arg4[%get3A_600] {strides = array<i32>} : memref<16384xf32, #tpu.memory_space<vmem>>, vector<16xf32>,
        %get3A_602 = vector.shape_cast %get3A_601 : vector<16xf32> to vector<16xf32>
        %max3A_603 = arith.maximumf %scan3A_542, %get3A_602 : vector<16xf32>
        %mul3A_604 = arith.constant 8 : i32
        %mul3A_605 = arith.muli %scan3A_536, %mul3A_604 : i32
        %add3A_606 = arith.constant 6 : i32
        %add3A_607 = arith.addi %mul3A_605, %add3A_606 : i32
        %mul3A_608 = arith.constant 16 : i32
        %mul3A_609 = arith.muli %add3A_607, %mul3A_608 : i32
        %get3A_610 = arith.index_cast %mul3A_609 : i32 to index
        %get3A_611 = tpu.vector_load %arg4[%get3A_610] {strides = array<i32>} : memref<16384xf32, #tpu.memory_space<vmem>>, vector<16xf32>,
        %get3A_612 = vector.shape_cast %get3A_611 : vector<16xf32> to vector<16xf32>
        %max3A_613 = arith.maximumf %scan3A_543, %get3A_612 : vector<16xf32>
        %mul3A_614 = arith.constant 8 : i32
        %mul3A_615 = arith.muli %scan3A_536, %mul3A_614 : i32
        %add3A_616 = arith.constant 7 : i32
        %add3A_617 = arith.addi %mul3A_615, %add3A_616 : i32
        %mul3A_618 = arith.constant 16 : i32
        %mul3A_619 = arith.muli %add3A_617, %mul3A_618 : i32
        %get3A_620 = arith.index_cast %mul3A_619 : i32 to index
        %get3A_621 = tpu.vector_load %arg4[%get3A_620] {strides = array<i32>} : memref<16384xf32, #tpu.memory_space<vmem>>, vector<16xf32>,
        %get3A_622 = vector.shape_cast %get3A_621 : vector<16xf32> to vector<16xf32>
        %max3A_623 = arith.maximumf %scan3A_544, %get3A_622 : vector<16xf32>
        scf.yield %max3A_553, %max3A_563, %max3A_573, %max3A_583, %max3A_593, %max3A_603, %max3A_613, %max3A_623 : vector<16xf32>, vector<16xf32>, vector<16xf32>, vector<16xf32>, vector<16xf32>, vector<16xf32>, vector<16xf32>, vector<16xf32>
      }
      %scan3A_325 = arith.constant 128 : i32
      %max3A_326 = arith.maximumf %scan3A_324#0, %scan3A_324#1 : vector<16xf32>
      %max3A_327 = arith.maximumf %max3A_326, %scan3A_324#2 : vector<16xf32>
      %max3A_328 = arith.maximumf %max3A_327, %scan3A_324#3 : vector<16xf32>
      %max3A_329 = arith.maximumf %max3A_328, %scan3A_324#4 : vector<16xf32>
      %max3A_330 = arith.maximumf %max3A_329, %scan3A_324#5 : vector<16xf32>
      %max3A_331 = arith.maximumf %max3A_330, %scan3A_324#6 : vector<16xf32>
      %max3A_332 = arith.maximumf %max3A_331, %scan3A_324#7 : vector<16xf32>
      %xor3A_333 = arith.constant 8 : i32
      %xor3A_334 = vector.broadcast %xor3A_333 : i32 to vector<16xi32>
      %xor3A_335 = arith.xori %iota3A, %xor3A_334 : vector<16xi32>
      %broadcast_in_dim3A_336 = vector.shape_cast %xor3A_335 : vector<16xi32> to vector<16x1xi32>
      %gather3A_337 = vector.shape_cast %broadcast_in_dim3A_336 : vector<16x1xi32> to vector<16xi32>
      %gather3A_338 = tpu.dynamic_gather %max3A_332[%gather3A_337] in [0] : vector<16xf32>, vector<16xi32> -> vector<16xf32>
      %max3A_339 = arith.maximumf %max3A_332, %gather3A_338 : vector<16xf32>
      %xor3A_340 = arith.constant 4 : i32
      %xor3A_341 = vector.broadcast %xor3A_340 : i32 to vector<16xi32>
      %xor3A_342 = arith.xori %iota3A, %xor3A_341 : vector<16xi32>
      %broadcast_in_dim3A_343 = vector.shape_cast %xor3A_342 : vector<16xi32> to vector<16x1xi32>
      %gather3A_344 = vector.shape_cast %broadcast_in_dim3A_343 : vector<16x1xi32> to vector<16xi32>
      %gather3A_345 = tpu.dynamic_gather %max3A_339[%gather3A_344] in [0] : vector<16xf32>, vector<16xi32> -> vector<16xf32>
      %max3A_346 = arith.maximumf %max3A_339, %gather3A_345 : vector<16xf32>
      %xor3A_347 = arith.constant 2 : i32
      %xor3A_348 = vector.broadcast %xor3A_347 : i32 to vector<16xi32>
      %xor3A_349 = arith.xori %iota3A, %xor3A_348 : vector<16xi32>
      %broadcast_in_dim3A_350 = vector.shape_cast %xor3A_349 : vector<16xi32> to vector<16x1xi32>
      %gather3A_351 = vector.shape_cast %broadcast_in_dim3A_350 : vector<16x1xi32> to vector<16xi32>
      %gather3A_352 = tpu.dynamic_gather %max3A_346[%gather3A_351] in [0] : vector<16xf32>, vector<16xi32> -> vector<16xf32>
      %max3A_353 = arith.maximumf %max3A_346, %gather3A_352 : vector<16xf32>
      %xor3A_354 = arith.constant 1 : i32
      %xor3A_355 = vector.broadcast %xor3A_354 : i32 to vector<16xi32>
      %xor3A_356 = arith.xori %iota3A, %xor3A_355 : vector<16xi32>
      %broadcast_in_dim3A_357 = vector.shape_cast %xor3A_356 : vector<16xi32> to vector<16x1xi32>
      %gather3A_358 = vector.shape_cast %broadcast_in_dim3A_357 : vector<16x1xi32> to vector<16xi32>
      %gather3A_359 = tpu.dynamic_gather %max3A_353[%gather3A_358] in [0] : vector<16xf32>, vector<16xi32> -> vector<16xf32>
      %max3A_360 = arith.maximumf %max3A_353, %gather3A_359 : vector<16xf32>
      %slice3A_361 = vector.extract_strided_slice %max3A_360 {offsets = [0], sizes = [1], strides = [1]} : vector<16xf32> to vector<1xf32>
      %squeeze3A_362 = vector.extract %slice3A_361[0] : f32 from vector<1xf32>
      %dma_wait3A_363 = tpu.memref_slice %arg2[%add3A_317] : memref<14155776xf32, #tpu.memory_space<hbm>> -> memref<16384xf32, #tpu.memory_space<hbm>>
      %dma_wait3A_364 = tpu.memref_slice %arg2[%add3A_317] : memref<14155776xf32, #tpu.memory_space<hbm>> -> memref<16384xf32, #tpu.memory_space<hbm>>
      tpu.wait_dma2 semaphore(%arg8 : memref<!tpu.dma_semaphore, #tpu.memory_space<semaphore_mem>>) src(%dma_wait3A_364 : memref<16384xf32, #tpu.memory_space<hbm>>) dst(%arg5 : memref<16384xf32, #tpu.memory_space<vmem>>)
      %add3A_365 = arith.constant 131072 : i32
      %add3A_366 = arith.addi %add3A_24, %add3A_365 : i32
      %dma_start3A_367 = tpu.memref_slice %arg2[%add3A_366] : memref<14155776xf32, #tpu.memory_space<hbm>> -> memref<16384xf32, #tpu.memory_space<hbm>>
      %dma_start3A_368 = tpu.memref_slice %arg2[%add3A_366] : memref<14155776xf32, #tpu.memory_space<hbm>> -> memref<16384xf32, #tpu.memory_space<hbm>>
      tpu.enqueue_dma source(%dma_start3A_368 : memref<16384xf32, #tpu.memory_space<hbm>>) target(%arg4 : memref<16384xf32, #tpu.memory_space<vmem>>) target_semaphore(%arg7 : memref<!tpu.dma_semaphore, #tpu.memory_space<semaphore_mem>>)
      %scan3A_369 = arith.constant 0 : i32
      %scan3A_370 = arith.constant 128 : i32
      %scan3A_371 = arith.addi %scan3A_369, %scan3A_370 : i32
      %scan3A_372 = arith.constant 1 : i32
      %scan3A_373:8 = scf.for %scan3A_536 = %scan3A_369 to %scan3A_371 step %scan3A_372 iter_args(%scan3A_537 = %broadcast_in_dim3A_3, %scan3A_538 = %broadcast_in_dim3A_3, %scan3A_539 = %broadcast_in_dim3A_3, %scan3A_540 = %broadcast_in_dim3A_3, %scan3A_541 = %broadcast_in_dim3A_3, %scan3A_542 = %broadcast_in_dim3A_3, %scan3A_543 = %broadcast_in_dim3A_3, %scan3A_544 = %broadcast_in_dim3A_3) -> (vector<16xf32>, vector<16xf32>, vector<16xf32>, vector<16xf32>, vector<16xf32>, vector<16xf32>, vector<16xf32>, vector<16xf32>)  : i32 {
        %mul3A_545 = arith.constant 8 : i32
        %mul3A_546 = arith.muli %scan3A_536, %mul3A_545 : i32
        %add3A_547 = arith.constant 0 : i32
        %add3A_548 = arith.addi %mul3A_546, %add3A_547 : i32
        %mul3A_549 = arith.constant 16 : i32
        %mul3A_550 = arith.muli %add3A_548, %mul3A_549 : i32
        %get3A = arith.index_cast %mul3A_550 : i32 to index
        %get3A_551 = tpu.vector_load %arg5[%get3A] {strides = array<i32>} : memref<16384xf32, #tpu.memory_space<vmem>>, vector<16xf32>,
        %get3A_552 = vector.shape_cast %get3A_551 : vector<16xf32> to vector<16xf32>
        %max3A_553 = arith.maximumf %scan3A_537, %get3A_552 : vector<16xf32>
        %mul3A_554 = arith.constant 8 : i32
        %mul3A_555 = arith.muli %scan3A_536, %mul3A_554 : i32
        %add3A_556 = arith.constant 1 : i32
        %add3A_557 = arith.addi %mul3A_555, %add3A_556 : i32
        %mul3A_558 = arith.constant 16 : i32
        %mul3A_559 = arith.muli %add3A_557, %mul3A_558 : i32
        %get3A_560 = arith.index_cast %mul3A_559 : i32 to index
        %get3A_561 = tpu.vector_load %arg5[%get3A_560] {strides = array<i32>} : memref<16384xf32, #tpu.memory_space<vmem>>, vector<16xf32>,
        %get3A_562 = vector.shape_cast %get3A_561 : vector<16xf32> to vector<16xf32>
        %max3A_563 = arith.maximumf %scan3A_538, %get3A_562 : vector<16xf32>
        %mul3A_564 = arith.constant 8 : i32
        %mul3A_565 = arith.muli %scan3A_536, %mul3A_564 : i32
        %add3A_566 = arith.constant 2 : i32
        %add3A_567 = arith.addi %mul3A_565, %add3A_566 : i32
        %mul3A_568 = arith.constant 16 : i32
        %mul3A_569 = arith.muli %add3A_567, %mul3A_568 : i32
        %get3A_570 = arith.index_cast %mul3A_569 : i32 to index
        %get3A_571 = tpu.vector_load %arg5[%get3A_570] {strides = array<i32>} : memref<16384xf32, #tpu.memory_space<vmem>>, vector<16xf32>,
        %get3A_572 = vector.shape_cast %get3A_571 : vector<16xf32> to vector<16xf32>
        %max3A_573 = arith.maximumf %scan3A_539, %get3A_572 : vector<16xf32>
        %mul3A_574 = arith.constant 8 : i32
        %mul3A_575 = arith.muli %scan3A_536, %mul3A_574 : i32
        %add3A_576 = arith.constant 3 : i32
        %add3A_577 = arith.addi %mul3A_575, %add3A_576 : i32
        %mul3A_578 = arith.constant 16 : i32
        %mul3A_579 = arith.muli %add3A_577, %mul3A_578 : i32
        %get3A_580 = arith.index_cast %mul3A_579 : i32 to index
        %get3A_581 = tpu.vector_load %arg5[%get3A_580] {strides = array<i32>} : memref<16384xf32, #tpu.memory_space<vmem>>, vector<16xf32>,
        %get3A_582 = vector.shape_cast %get3A_581 : vector<16xf32> to vector<16xf32>
        %max3A_583 = arith.maximumf %scan3A_540, %get3A_582 : vector<16xf32>
        %mul3A_584 = arith.constant 8 : i32
        %mul3A_585 = arith.muli %scan3A_536, %mul3A_584 : i32
        %add3A_586 = arith.constant 4 : i32
        %add3A_587 = arith.addi %mul3A_585, %add3A_586 : i32
        %mul3A_588 = arith.constant 16 : i32
        %mul3A_589 = arith.muli %add3A_587, %mul3A_588 : i32
        %get3A_590 = arith.index_cast %mul3A_589 : i32 to index
        %get3A_591 = tpu.vector_load %arg5[%get3A_590] {strides = array<i32>} : memref<16384xf32, #tpu.memory_space<vmem>>, vector<16xf32>,
        %get3A_592 = vector.shape_cast %get3A_591 : vector<16xf32> to vector<16xf32>
        %max3A_593 = arith.maximumf %scan3A_541, %get3A_592 : vector<16xf32>
        %mul3A_594 = arith.constant 8 : i32
        %mul3A_595 = arith.muli %scan3A_536, %mul3A_594 : i32
        %add3A_596 = arith.constant 5 : i32
        %add3A_597 = arith.addi %mul3A_595, %add3A_596 : i32
        %mul3A_598 = arith.constant 16 : i32
        %mul3A_599 = arith.muli %add3A_597, %mul3A_598 : i32
        %get3A_600 = arith.index_cast %mul3A_599 : i32 to index
        %get3A_601 = tpu.vector_load %arg5[%get3A_600] {strides = array<i32>} : memref<16384xf32, #tpu.memory_space<vmem>>, vector<16xf32>,
        %get3A_602 = vector.shape_cast %get3A_601 : vector<16xf32> to vector<16xf32>
        %max3A_603 = arith.maximumf %scan3A_542, %get3A_602 : vector<16xf32>
        %mul3A_604 = arith.constant 8 : i32
        %mul3A_605 = arith.muli %scan3A_536, %mul3A_604 : i32
        %add3A_606 = arith.constant 6 : i32
        %add3A_607 = arith.addi %mul3A_605, %add3A_606 : i32
        %mul3A_608 = arith.constant 16 : i32
        %mul3A_609 = arith.muli %add3A_607, %mul3A_608 : i32
        %get3A_610 = arith.index_cast %mul3A_609 : i32 to index
        %get3A_611 = tpu.vector_load %arg5[%get3A_610] {strides = array<i32>} : memref<16384xf32, #tpu.memory_space<vmem>>, vector<16xf32>,
        %get3A_612 = vector.shape_cast %get3A_611 : vector<16xf32> to vector<16xf32>
        %max3A_613 = arith.maximumf %scan3A_543, %get3A_612 : vector<16xf32>
        %mul3A_614 = arith.constant 8 : i32
        %mul3A_615 = arith.muli %scan3A_536, %mul3A_614 : i32
        %add3A_616 = arith.constant 7 : i32
        %add3A_617 = arith.addi %mul3A_615, %add3A_616 : i32
        %mul3A_618 = arith.constant 16 : i32
        %mul3A_619 = arith.muli %add3A_617, %mul3A_618 : i32
        %get3A_620 = arith.index_cast %mul3A_619 : i32 to index
        %get3A_621 = tpu.vector_load %arg5[%get3A_620] {strides = array<i32>} : memref<16384xf32, #tpu.memory_space<vmem>>, vector<16xf32>,
        %get3A_622 = vector.shape_cast %get3A_621 : vector<16xf32> to vector<16xf32>
        %max3A_623 = arith.maximumf %scan3A_544, %get3A_622 : vector<16xf32>
        scf.yield %max3A_553, %max3A_563, %max3A_573, %max3A_583, %max3A_593, %max3A_603, %max3A_613, %max3A_623 : vector<16xf32>, vector<16xf32>, vector<16xf32>, vector<16xf32>, vector<16xf32>, vector<16xf32>, vector<16xf32>, vector<16xf32>
      }
      %scan3A_374 = arith.constant 128 : i32
      %max3A_375 = arith.maximumf %scan3A_373#0, %scan3A_373#1 : vector<16xf32>
      %max3A_376 = arith.maximumf %max3A_375, %scan3A_373#2 : vector<16xf32>
      %max3A_377 = arith.maximumf %max3A_376, %scan3A_373#3 : vector<16xf32>
      %max3A_378 = arith.maximumf %max3A_377, %scan3A_373#4 : vector<16xf32>
      %max3A_379 = arith.maximumf %max3A_378, %scan3A_373#5 : vector<16xf32>
      %max3A_380 = arith.maximumf %max3A_379, %scan3A_373#6 : vector<16xf32>
      %max3A_381 = arith.maximumf %max3A_380, %scan3A_373#7 : vector<16xf32>
      %xor3A_382 = arith.constant 8 : i32
      %xor3A_383 = vector.broadcast %xor3A_382 : i32 to vector<16xi32>
      %xor3A_384 = arith.xori %iota3A, %xor3A_383 : vector<16xi32>
      %broadcast_in_dim3A_385 = vector.shape_cast %xor3A_384 : vector<16xi32> to vector<16x1xi32>
      %gather3A_386 = vector.shape_cast %broadcast_in_dim3A_385 : vector<16x1xi32> to vector<16xi32>
      %gather3A_387 = tpu.dynamic_gather %max3A_381[%gather3A_386] in [0] : vector<16xf32>, vector<16xi32> -> vector<16xf32>
      %max3A_388 = arith.maximumf %max3A_381, %gather3A_387 : vector<16xf32>
      %xor3A_389 = arith.constant 4 : i32
      %xor3A_390 = vector.broadcast %xor3A_389 : i32 to vector<16xi32>
      %xor3A_391 = arith.xori %iota3A, %xor3A_390 : vector<16xi32>
      %broadcast_in_dim3A_392 = vector.shape_cast %xor3A_391 : vector<16xi32> to vector<16x1xi32>
      %gather3A_393 = vector.shape_cast %broadcast_in_dim3A_392 : vector<16x1xi32> to vector<16xi32>
      %gather3A_394 = tpu.dynamic_gather %max3A_388[%gather3A_393] in [0] : vector<16xf32>, vector<16xi32> -> vector<16xf32>
      %max3A_395 = arith.maximumf %max3A_388, %gather3A_394 : vector<16xf32>
      %xor3A_396 = arith.constant 2 : i32
      %xor3A_397 = vector.broadcast %xor3A_396 : i32 to vector<16xi32>
      %xor3A_398 = arith.xori %iota3A, %xor3A_397 : vector<16xi32>
      %broadcast_in_dim3A_399 = vector.shape_cast %xor3A_398 : vector<16xi32> to vector<16x1xi32>
      %gather3A_400 = vector.shape_cast %broadcast_in_dim3A_399 : vector<16x1xi32> to vector<16xi32>
      %gather3A_401 = tpu.dynamic_gather %max3A_395[%gather3A_400] in [0] : vector<16xf32>, vector<16xi32> -> vector<16xf32>
      %max3A_402 = arith.maximumf %max3A_395, %gather3A_401 : vector<16xf32>
      %xor3A_403 = arith.constant 1 : i32
      %xor3A_404 = vector.broadcast %xor3A_403 : i32 to vector<16xi32>
      %xor3A_405 = arith.xori %iota3A, %xor3A_404 : vector<16xi32>
      %broadcast_in_dim3A_406 = vector.shape_cast %xor3A_405 : vector<16xi32> to vector<16x1xi32>
      %gather3A_407 = vector.shape_cast %broadcast_in_dim3A_406 : vector<16x1xi32> to vector<16xi32>
      %gather3A_408 = tpu.dynamic_gather %max3A_402[%gather3A_407] in [0] : vector<16xf32>, vector<16xi32> -> vector<16xf32>
      %max3A_409 = arith.maximumf %max3A_402, %gather3A_408 : vector<16xf32>
      %slice3A_410 = vector.extract_strided_slice %max3A_409 {offsets = [0], sizes = [1], strides = [1]} : vector<16xf32> to vector<1xf32>
      %squeeze3A_411 = vector.extract %slice3A_410[0] : f32 from vector<1xf32>
      %dma_wait3A_412 = tpu.memref_slice %arg2[%add3A_366] : memref<14155776xf32, #tpu.memory_space<hbm>> -> memref<16384xf32, #tpu.memory_space<hbm>>
      %dma_wait3A_413 = tpu.memref_slice %arg2[%add3A_366] : memref<14155776xf32, #tpu.memory_space<hbm>> -> memref<16384xf32, #tpu.memory_space<hbm>>
      tpu.wait_dma2 semaphore(%arg7 : memref<!tpu.dma_semaphore, #tpu.memory_space<semaphore_mem>>) src(%dma_wait3A_413 : memref<16384xf32, #tpu.memory_space<hbm>>) dst(%arg4 : memref<16384xf32, #tpu.memory_space<vmem>>)
      %scan3A_414 = arith.constant 0 : i32
      %scan3A_415 = arith.constant 128 : i32
      %scan3A_416 = arith.addi %scan3A_414, %scan3A_415 : i32
      %scan3A_417 = arith.constant 1 : i32
      %scan3A_418:8 = scf.for %scan3A_536 = %scan3A_414 to %scan3A_416 step %scan3A_417 iter_args(%scan3A_537 = %broadcast_in_dim3A_3, %scan3A_538 = %broadcast_in_dim3A_3, %scan3A_539 = %broadcast_in_dim3A_3, %scan3A_540 = %broadcast_in_dim3A_3, %scan3A_541 = %broadcast_in_dim3A_3, %scan3A_542 = %broadcast_in_dim3A_3, %scan3A_543 = %broadcast_in_dim3A_3, %scan3A_544 = %broadcast_in_dim3A_3) -> (vector<16xf32>, vector<16xf32>, vector<16xf32>, vector<16xf32>, vector<16xf32>, vector<16xf32>, vector<16xf32>, vector<16xf32>)  : i32 {
        %mul3A_545 = arith.constant 8 : i32
        %mul3A_546 = arith.muli %scan3A_536, %mul3A_545 : i32
        %add3A_547 = arith.constant 0 : i32
        %add3A_548 = arith.addi %mul3A_546, %add3A_547 : i32
        %mul3A_549 = arith.constant 16 : i32
        %mul3A_550 = arith.muli %add3A_548, %mul3A_549 : i32
        %get3A = arith.index_cast %mul3A_550 : i32 to index
        %get3A_551 = tpu.vector_load %arg4[%get3A] {strides = array<i32>} : memref<16384xf32, #tpu.memory_space<vmem>>, vector<16xf32>,
        %get3A_552 = vector.shape_cast %get3A_551 : vector<16xf32> to vector<16xf32>
        %max3A_553 = arith.maximumf %scan3A_537, %get3A_552 : vector<16xf32>
        %mul3A_554 = arith.constant 8 : i32
        %mul3A_555 = arith.muli %scan3A_536, %mul3A_554 : i32
        %add3A_556 = arith.constant 1 : i32
        %add3A_557 = arith.addi %mul3A_555, %add3A_556 : i32
        %mul3A_558 = arith.constant 16 : i32
        %mul3A_559 = arith.muli %add3A_557, %mul3A_558 : i32
        %get3A_560 = arith.index_cast %mul3A_559 : i32 to index
        %get3A_561 = tpu.vector_load %arg4[%get3A_560] {strides = array<i32>} : memref<16384xf32, #tpu.memory_space<vmem>>, vector<16xf32>,
        %get3A_562 = vector.shape_cast %get3A_561 : vector<16xf32> to vector<16xf32>
        %max3A_563 = arith.maximumf %scan3A_538, %get3A_562 : vector<16xf32>
        %mul3A_564 = arith.constant 8 : i32
        %mul3A_565 = arith.muli %scan3A_536, %mul3A_564 : i32
        %add3A_566 = arith.constant 2 : i32
        %add3A_567 = arith.addi %mul3A_565, %add3A_566 : i32
        %mul3A_568 = arith.constant 16 : i32
        %mul3A_569 = arith.muli %add3A_567, %mul3A_568 : i32
        %get3A_570 = arith.index_cast %mul3A_569 : i32 to index
        %get3A_571 = tpu.vector_load %arg4[%get3A_570] {strides = array<i32>} : memref<16384xf32, #tpu.memory_space<vmem>>, vector<16xf32>,
        %get3A_572 = vector.shape_cast %get3A_571 : vector<16xf32> to vector<16xf32>
        %max3A_573 = arith.maximumf %scan3A_539, %get3A_572 : vector<16xf32>
        %mul3A_574 = arith.constant 8 : i32
        %mul3A_575 = arith.muli %scan3A_536, %mul3A_574 : i32
        %add3A_576 = arith.constant 3 : i32
        %add3A_577 = arith.addi %mul3A_575, %add3A_576 : i32
        %mul3A_578 = arith.constant 16 : i32
        %mul3A_579 = arith.muli %add3A_577, %mul3A_578 : i32
        %get3A_580 = arith.index_cast %mul3A_579 : i32 to index
        %get3A_581 = tpu.vector_load %arg4[%get3A_580] {strides = array<i32>} : memref<16384xf32, #tpu.memory_space<vmem>>, vector<16xf32>,
        %get3A_582 = vector.shape_cast %get3A_581 : vector<16xf32> to vector<16xf32>
        %max3A_583 = arith.maximumf %scan3A_540, %get3A_582 : vector<16xf32>
        %mul3A_584 = arith.constant 8 : i32
        %mul3A_585 = arith.muli %scan3A_536, %mul3A_584 : i32
        %add3A_586 = arith.constant 4 : i32
        %add3A_587 = arith.addi %mul3A_585, %add3A_586 : i32
        %mul3A_588 = arith.constant 16 : i32
        %mul3A_589 = arith.muli %add3A_587, %mul3A_588 : i32
        %get3A_590 = arith.index_cast %mul3A_589 : i32 to index
        %get3A_591 = tpu.vector_load %arg4[%get3A_590] {strides = array<i32>} : memref<16384xf32, #tpu.memory_space<vmem>>, vector<16xf32>,
        %get3A_592 = vector.shape_cast %get3A_591 : vector<16xf32> to vector<16xf32>
        %max3A_593 = arith.maximumf %scan3A_541, %get3A_592 : vector<16xf32>
        %mul3A_594 = arith.constant 8 : i32
        %mul3A_595 = arith.muli %scan3A_536, %mul3A_594 : i32
        %add3A_596 = arith.constant 5 : i32
        %add3A_597 = arith.addi %mul3A_595, %add3A_596 : i32
        %mul3A_598 = arith.constant 16 : i32
        %mul3A_599 = arith.muli %add3A_597, %mul3A_598 : i32
        %get3A_600 = arith.index_cast %mul3A_599 : i32 to index
        %get3A_601 = tpu.vector_load %arg4[%get3A_600] {strides = array<i32>} : memref<16384xf32, #tpu.memory_space<vmem>>, vector<16xf32>,
        %get3A_602 = vector.shape_cast %get3A_601 : vector<16xf32> to vector<16xf32>
        %max3A_603 = arith.maximumf %scan3A_542, %get3A_602 : vector<16xf32>
        %mul3A_604 = arith.constant 8 : i32
        %mul3A_605 = arith.muli %scan3A_536, %mul3A_604 : i32
        %add3A_606 = arith.constant 6 : i32
        %add3A_607 = arith.addi %mul3A_605, %add3A_606 : i32
        %mul3A_608 = arith.constant 16 : i32
        %mul3A_609 = arith.muli %add3A_607, %mul3A_608 : i32
        %get3A_610 = arith.index_cast %mul3A_609 : i32 to index
        %get3A_611 = tpu.vector_load %arg4[%get3A_610] {strides = array<i32>} : memref<16384xf32, #tpu.memory_space<vmem>>, vector<16xf32>,
        %get3A_612 = vector.shape_cast %get3A_611 : vector<16xf32> to vector<16xf32>
        %max3A_613 = arith.maximumf %scan3A_543, %get3A_612 : vector<16xf32>
        %mul3A_614 = arith.constant 8 : i32
        %mul3A_615 = arith.muli %scan3A_536, %mul3A_614 : i32
        %add3A_616 = arith.constant 7 : i32
        %add3A_617 = arith.addi %mul3A_615, %add3A_616 : i32
        %mul3A_618 = arith.constant 16 : i32
        %mul3A_619 = arith.muli %add3A_617, %mul3A_618 : i32
        %get3A_620 = arith.index_cast %mul3A_619 : i32 to index
        %get3A_621 = tpu.vector_load %arg4[%get3A_620] {strides = array<i32>} : memref<16384xf32, #tpu.memory_space<vmem>>, vector<16xf32>,
        %get3A_622 = vector.shape_cast %get3A_621 : vector<16xf32> to vector<16xf32>
        %max3A_623 = arith.maximumf %scan3A_544, %get3A_622 : vector<16xf32>
        scf.yield %max3A_553, %max3A_563, %max3A_573, %max3A_583, %max3A_593, %max3A_603, %max3A_613, %max3A_623 : vector<16xf32>, vector<16xf32>, vector<16xf32>, vector<16xf32>, vector<16xf32>, vector<16xf32>, vector<16xf32>, vector<16xf32>
      }
      %scan3A_419 = arith.constant 128 : i32
      %max3A_420 = arith.maximumf %scan3A_418#0, %scan3A_418#1 : vector<16xf32>
      %max3A_421 = arith.maximumf %max3A_420, %scan3A_418#2 : vector<16xf32>
      %max3A_422 = arith.maximumf %max3A_421, %scan3A_418#3 : vector<16xf32>
      %max3A_423 = arith.maximumf %max3A_422, %scan3A_418#4 : vector<16xf32>
      %max3A_424 = arith.maximumf %max3A_423, %scan3A_418#5 : vector<16xf32>
      %max3A_425 = arith.maximumf %max3A_424, %scan3A_418#6 : vector<16xf32>
      %max3A_426 = arith.maximumf %max3A_425, %scan3A_418#7 : vector<16xf32>
      %xor3A_427 = arith.constant 8 : i32
      %xor3A_428 = vector.broadcast %xor3A_427 : i32 to vector<16xi32>
      %xor3A_429 = arith.xori %iota3A, %xor3A_428 : vector<16xi32>
      %broadcast_in_dim3A_430 = vector.shape_cast %xor3A_429 : vector<16xi32> to vector<16x1xi32>
      %gather3A_431 = vector.shape_cast %broadcast_in_dim3A_430 : vector<16x1xi32> to vector<16xi32>
      %gather3A_432 = tpu.dynamic_gather %max3A_426[%gather3A_431] in [0] : vector<16xf32>, vector<16xi32> -> vector<16xf32>
      %max3A_433 = arith.maximumf %max3A_426, %gather3A_432 : vector<16xf32>
      %xor3A_434 = arith.constant 4 : i32
      %xor3A_435 = vector.broadcast %xor3A_434 : i32 to vector<16xi32>
      %xor3A_436 = arith.xori %iota3A, %xor3A_435 : vector<16xi32>
      %broadcast_in_dim3A_437 = vector.shape_cast %xor3A_436 : vector<16xi32> to vector<16x1xi32>
      %gather3A_438 = vector.shape_cast %broadcast_in_dim3A_437 : vector<16x1xi32> to vector<16xi32>
      %gather3A_439 = tpu.dynamic_gather %max3A_433[%gather3A_438] in [0] : vector<16xf32>, vector<16xi32> -> vector<16xf32>
      %max3A_440 = arith.maximumf %max3A_433, %gather3A_439 : vector<16xf32>
      %xor3A_441 = arith.constant 2 : i32
      %xor3A_442 = vector.broadcast %xor3A_441 : i32 to vector<16xi32>
      %xor3A_443 = arith.xori %iota3A, %xor3A_442 : vector<16xi32>
      %broadcast_in_dim3A_444 = vector.shape_cast %xor3A_443 : vector<16xi32> to vector<16x1xi32>
      %gather3A_445 = vector.shape_cast %broadcast_in_dim3A_444 : vector<16x1xi32> to vector<16xi32>
      %gather3A_446 = tpu.dynamic_gather %max3A_440[%gather3A_445] in [0] : vector<16xf32>, vector<16xi32> -> vector<16xf32>
      %max3A_447 = arith.maximumf %max3A_440, %gather3A_446 : vector<16xf32>
      %xor3A_448 = arith.constant 1 : i32
      %xor3A_449 = vector.broadcast %xor3A_448 : i32 to vector<16xi32>
      %xor3A_450 = arith.xori %iota3A, %xor3A_449 : vector<16xi32>
      %broadcast_in_dim3A_451 = vector.shape_cast %xor3A_450 : vector<16xi32> to vector<16x1xi32>
      %gather3A_452 = vector.shape_cast %broadcast_in_dim3A_451 : vector<16x1xi32> to vector<16xi32>
      %gather3A_453 = tpu.dynamic_gather %max3A_447[%gather3A_452] in [0] : vector<16xf32>, vector<16xi32> -> vector<16xf32>
      %max3A_454 = arith.maximumf %max3A_447, %gather3A_453 : vector<16xf32>
      %slice3A_455 = vector.extract_strided_slice %max3A_454 {offsets = [0], sizes = [1], strides = [1]} : vector<16xf32> to vector<1xf32>
      %squeeze3A_456 = vector.extract %slice3A_455[0] : f32 from vector<1xf32>
      %max3A_457 = arith.maximumf %squeeze3A, %squeeze3A_117 : f32
      %max3A_458 = arith.maximumf %max3A_457, %squeeze3A_166 : f32
      %max3A_459 = arith.maximumf %max3A_458, %squeeze3A_215 : f32
      %max3A_460 = arith.maximumf %max3A_459, %squeeze3A_264 : f32
      %max3A_461 = arith.maximumf %max3A_460, %squeeze3A_313 : f32
      %max3A_462 = arith.maximumf %max3A_461, %squeeze3A_362 : f32
      %max3A_463 = arith.maximumf %max3A_462, %squeeze3A_411 : f32
      %max3A_464 = arith.maximumf %max3A_463, %squeeze3A_456 : f32
      %broadcast_in_dim3A_465 = vector.broadcast %max3A_464 : f32 to vector<16xf32>
      %eq3A = arith.cmpf oeq, %squeeze3A_456, %max3A_464 : f32
      %jit3A = arith.constant 8 : i32
      %jit3A_466 = arith.constant 8 : i32
      %select_n3A = arith.select %eq3A, %jit3A, %jit3A_466 : i32
      %eq3A_467 = arith.cmpf oeq, %squeeze3A_411, %max3A_464 : f32
      %jit3A_468 = arith.constant 7 : i32
      %select_n3A_469 = arith.select %eq3A_467, %jit3A_468, %select_n3A : i32
      %eq3A_470 = arith.cmpf oeq, %squeeze3A_362, %max3A_464 : f32
      %jit3A_471 = arith.constant 6 : i32
      %select_n3A_472 = arith.select %eq3A_470, %jit3A_471, %select_n3A_469 : i32
      %eq3A_473 = arith.cmpf oeq, %squeeze3A_313, %max3A_464 : f32
      %jit3A_474 = arith.constant 5 : i32
      %select_n3A_475 = arith.select %eq3A_473, %jit3A_474, %select_n3A_472 : i32
      %eq3A_476 = arith.cmpf oeq, %squeeze3A_264, %max3A_464 : f32
      %jit3A_477 = arith.constant 4 : i32
      %select_n3A_478 = arith.select %eq3A_476, %jit3A_477, %select_n3A_475 : i32
      %eq3A_479 = arith.cmpf oeq, %squeeze3A_215, %max3A_464 : f32
      %jit3A_480 = arith.constant 3 : i32
      %select_n3A_481 = arith.select %eq3A_479, %jit3A_480, %select_n3A_478 : i32
      %eq3A_482 = arith.cmpf oeq, %squeeze3A_166, %max3A_464 : f32
      %jit3A_483 = arith.constant 2 : i32
      %select_n3A_484 = arith.select %eq3A_482, %jit3A_483, %select_n3A_481 : i32
      %eq3A_485 = arith.cmpf oeq, %squeeze3A_117, %max3A_464 : f32
      %jit3A_486 = arith.constant 1 : i32
      %select_n3A_487 = arith.select %eq3A_485, %jit3A_486, %select_n3A_484 : i32
      %eq3A_488 = arith.cmpf oeq, %squeeze3A, %max3A_464 : f32
      %jit3A_489 = arith.constant 0 : i32
      %select_n3A_490 = arith.select %eq3A_488, %jit3A_489, %select_n3A_487 : i32
      %mul3A_491 = arith.constant 16384 : i32
      %mul3A_492 = arith.muli %select_n3A_490, %mul3A_491 : i32
      %add3A_493 = arith.addi %add3A_24, %mul3A_492 : i32
      "tpu.region"() ({
        %run_scoped3A = tpu.sem_alloc : memref<!tpu.dma_semaphore, #tpu.memory_space<semaphore_mem>>
        %dma_start3A_536 = tpu.memref_slice %arg2[%add3A_493] : memref<14155776xf32, #tpu.memory_space<hbm>> -> memref<16384xf32, #tpu.memory_space<hbm>>
        %dma_start3A_537 = tpu.memref_slice %arg2[%add3A_493] : memref<14155776xf32, #tpu.memory_space<hbm>> -> memref<16384xf32, #tpu.memory_space<hbm>>
        tpu.enqueue_dma source(%dma_start3A_537 : memref<16384xf32, #tpu.memory_space<hbm>>) target(%arg4 : memref<16384xf32, #tpu.memory_space<vmem>>) target_semaphore(%run_scoped3A : memref<!tpu.dma_semaphore, #tpu.memory_space<semaphore_mem>>)
        %dma_wait3A_538 = tpu.memref_slice %arg2[%add3A_493] : memref<14155776xf32, #tpu.memory_space<hbm>> -> memref<16384xf32, #tpu.memory_space<hbm>>
        %dma_wait3A_539 = tpu.memref_slice %arg2[%add3A_493] : memref<14155776xf32, #tpu.memory_space<hbm>> -> memref<16384xf32, #tpu.memory_space<hbm>>
        tpu.wait_dma2 semaphore(%run_scoped3A : memref<!tpu.dma_semaphore, #tpu.memory_space<semaphore_mem>>) src(%dma_wait3A_539 : memref<16384xf32, #tpu.memory_space<hbm>>) dst(%arg4 : memref<16384xf32, #tpu.memory_space<vmem>>)
        tpu.yield
      }) : () -> ()
      %scan3A_494 = arith.constant 0 : i32
      %scan3A_495 = arith.constant 256 : i32
      %scan3A_496 = arith.addi %scan3A_494, %scan3A_495 : i32
      %scan3A_497 = arith.constant 1 : i32
      %scan3A_498 = scf.for %scan3A_536 = %scan3A_494 to %scan3A_496 step %scan3A_497 iter_args(%scan3A_537 = %broadcast_in_dim3A_5) -> (vector<16xi32>)  : i32 {
        %mul3A_538 = arith.constant 4 : i32
        %mul3A_539 = arith.muli %scan3A_536, %mul3A_538 : i32
        %add3A_540 = arith.constant 0 : i32
        %add3A_541 = arith.addi %mul3A_539, %add3A_540 : i32
        %mul3A_542 = arith.constant 16 : i32
        %mul3A_543 = arith.muli %add3A_541, %mul3A_542 : i32
        %get3A = arith.index_cast %mul3A_543 : i32 to index
        %get3A_544 = tpu.vector_load %arg4[%get3A] {strides = array<i32>} : memref<16384xf32, #tpu.memory_space<vmem>>, vector<16xf32>,
        %get3A_545 = vector.shape_cast %get3A_544 : vector<16xf32> to vector<16xf32>
        %eq3A_546 = arith.cmpf oeq, %get3A_545, %broadcast_in_dim3A_465 : vector<16xf32>
        %mul3A_547 = arith.constant 16 : i32
        %mul3A_548 = arith.muli %add3A_541, %mul3A_547 : i32
        %add3A_549 = vector.broadcast %mul3A_548 : i32 to vector<16xi32>
        %add3A_550 = arith.addi %iota3A, %add3A_549 : vector<16xi32>
        %select_n3A_551 = arith.select %eq3A_546, %add3A_550, %broadcast_in_dim3A_5 : vector<16xi1>, vector<16xi32>
        %min3A_552 = arith.minsi %scan3A_537, %select_n3A_551 : vector<16xi32>
        %mul3A_553 = arith.constant 4 : i32
        %mul3A_554 = arith.muli %scan3A_536, %mul3A_553 : i32
        %add3A_555 = arith.constant 1 : i32
        %add3A_556 = arith.addi %mul3A_554, %add3A_555 : i32
        %mul3A_557 = arith.constant 16 : i32
        %mul3A_558 = arith.muli %add3A_556, %mul3A_557 : i32
        %get3A_559 = arith.index_cast %mul3A_558 : i32 to index
        %get3A_560 = tpu.vector_load %arg4[%get3A_559] {strides = array<i32>} : memref<16384xf32, #tpu.memory_space<vmem>>, vector<16xf32>,
        %get3A_561 = vector.shape_cast %get3A_560 : vector<16xf32> to vector<16xf32>
        %eq3A_562 = arith.cmpf oeq, %get3A_561, %broadcast_in_dim3A_465 : vector<16xf32>
        %mul3A_563 = arith.constant 16 : i32
        %mul3A_564 = arith.muli %add3A_556, %mul3A_563 : i32
        %add3A_565 = vector.broadcast %mul3A_564 : i32 to vector<16xi32>
        %add3A_566 = arith.addi %iota3A, %add3A_565 : vector<16xi32>
        %select_n3A_567 = arith.select %eq3A_562, %add3A_566, %broadcast_in_dim3A_5 : vector<16xi1>, vector<16xi32>
        %min3A_568 = arith.minsi %min3A_552, %select_n3A_567 : vector<16xi32>
        %mul3A_569 = arith.constant 4 : i32
        %mul3A_570 = arith.muli %scan3A_536, %mul3A_569 : i32
        %add3A_571 = arith.constant 2 : i32
        %add3A_572 = arith.addi %mul3A_570, %add3A_571 : i32
        %mul3A_573 = arith.constant 16 : i32
        %mul3A_574 = arith.muli %add3A_572, %mul3A_573 : i32
        %get3A_575 = arith.index_cast %mul3A_574 : i32 to index
        %get3A_576 = tpu.vector_load %arg4[%get3A_575] {strides = array<i32>} : memref<16384xf32, #tpu.memory_space<vmem>>, vector<16xf32>,
        %get3A_577 = vector.shape_cast %get3A_576 : vector<16xf32> to vector<16xf32>
        %eq3A_578 = arith.cmpf oeq, %get3A_577, %broadcast_in_dim3A_465 : vector<16xf32>
        %mul3A_579 = arith.constant 16 : i32
        %mul3A_580 = arith.muli %add3A_572, %mul3A_579 : i32
        %add3A_581 = vector.broadcast %mul3A_580 : i32 to vector<16xi32>
        %add3A_582 = arith.addi %iota3A, %add3A_581 : vector<16xi32>
        %select_n3A_583 = arith.select %eq3A_578, %add3A_582, %broadcast_in_dim3A_5 : vector<16xi1>, vector<16xi32>
        %min3A_584 = arith.minsi %min3A_568, %select_n3A_583 : vector<16xi32>
        %mul3A_585 = arith.constant 4 : i32
        %mul3A_586 = arith.muli %scan3A_536, %mul3A_585 : i32
        %add3A_587 = arith.constant 3 : i32
        %add3A_588 = arith.addi %mul3A_586, %add3A_587 : i32
        %mul3A_589 = arith.constant 16 : i32
        %mul3A_590 = arith.muli %add3A_588, %mul3A_589 : i32
        %get3A_591 = arith.index_cast %mul3A_590 : i32 to index
        %get3A_592 = tpu.vector_load %arg4[%get3A_591] {strides = array<i32>} : memref<16384xf32, #tpu.memory_space<vmem>>, vector<16xf32>,
        %get3A_593 = vector.shape_cast %get3A_592 : vector<16xf32> to vector<16xf32>
        %eq3A_594 = arith.cmpf oeq, %get3A_593, %broadcast_in_dim3A_465 : vector<16xf32>
        %mul3A_595 = arith.constant 16 : i32
        %mul3A_596 = arith.muli %add3A_588, %mul3A_595 : i32
        %add3A_597 = vector.broadcast %mul3A_596 : i32 to vector<16xi32>
        %add3A_598 = arith.addi %iota3A, %add3A_597 : vector<16xi32>
        %select_n3A_599 = arith.select %eq3A_594, %add3A_598, %broadcast_in_dim3A_5 : vector<16xi1>, vector<16xi32>
        %min3A_600 = arith.minsi %min3A_584, %select_n3A_599 : vector<16xi32>
        scf.yield %min3A_600 : vector<16xi32>
      }
      %scan3A_499 = arith.constant 256 : i32
      %xor3A_500 = arith.constant 8 : i32
      %xor3A_501 = vector.broadcast %xor3A_500 : i32 to vector<16xi32>
      %xor3A_502 = arith.xori %iota3A, %xor3A_501 : vector<16xi32>
      %broadcast_in_dim3A_503 = vector.shape_cast %xor3A_502 : vector<16xi32> to vector<16x1xi32>
      %gather3A_504 = vector.shape_cast %broadcast_in_dim3A_503 : vector<16x1xi32> to vector<16xi32>
      %gather3A_505 = tpu.dynamic_gather %scan3A_498[%gather3A_504] in [0] : vector<16xi32>, vector<16xi32> -> vector<16xi32>
      %min3A = arith.minsi %scan3A_498, %gather3A_505 : vector<16xi32>
      %xor3A_506 = arith.constant 4 : i32
      %xor3A_507 = vector.broadcast %xor3A_506 : i32 to vector<16xi32>
      %xor3A_508 = arith.xori %iota3A, %xor3A_507 : vector<16xi32>
      %broadcast_in_dim3A_509 = vector.shape_cast %xor3A_508 : vector<16xi32> to vector<16x1xi32>
      %gather3A_510 = vector.shape_cast %broadcast_in_dim3A_509 : vector<16x1xi32> to vector<16xi32>
      %gather3A_511 = tpu.dynamic_gather %min3A[%gather3A_510] in [0] : vector<16xi32>, vector<16xi32> -> vector<16xi32>
      %min3A_512 = arith.minsi %min3A, %gather3A_511 : vector<16xi32>
      %xor3A_513 = arith.constant 2 : i32
      %xor3A_514 = vector.broadcast %xor3A_513 : i32 to vector<16xi32>
      %xor3A_515 = arith.xori %iota3A, %xor3A_514 : vector<16xi32>
      %broadcast_in_dim3A_516 = vector.shape_cast %xor3A_515 : vector<16xi32> to vector<16x1xi32>
      %gather3A_517 = vector.shape_cast %broadcast_in_dim3A_516 : vector<16x1xi32> to vector<16xi32>
      %gather3A_518 = tpu.dynamic_gather %min3A_512[%gather3A_517] in [0] : vector<16xi32>, vector<16xi32> -> vector<16xi32>
      %min3A_519 = arith.minsi %min3A_512, %gather3A_518 : vector<16xi32>
      %xor3A_520 = arith.constant 1 : i32
      %xor3A_521 = vector.broadcast %xor3A_520 : i32 to vector<16xi32>
      %xor3A_522 = arith.xori %iota3A, %xor3A_521 : vector<16xi32>
      %broadcast_in_dim3A_523 = vector.shape_cast %xor3A_522 : vector<16xi32> to vector<16x1xi32>
      %gather3A_524 = vector.shape_cast %broadcast_in_dim3A_523 : vector<16x1xi32> to vector<16xi32>
      %gather3A_525 = tpu.dynamic_gather %min3A_519[%gather3A_524] in [0] : vector<16xi32>, vector<16xi32> -> vector<16xi32>
      %min3A_526 = arith.minsi %min3A_519, %gather3A_525 : vector<16xi32>
      %slice3A_527 = vector.extract_strided_slice %min3A_526 {offsets = [0], sizes = [1], strides = [1]} : vector<16xi32> to vector<1xi32>
      %squeeze3A_528 = vector.extract %slice3A_527[0] : i32 from vector<1xi32>
      %mul3A_529 = arith.constant 16384 : i32
      %mul3A_530 = arith.muli %select_n3A_490, %mul3A_529 : i32
      %add3A_531 = arith.addi %mul3A_530, %squeeze3A_528 : i32
      %eq3A_532 = vector.broadcast %add3A_21 : i32 to vector<16xi32>
      %eq3A_533 = arith.cmpi eq, %iota3A, %eq3A_532 : vector<16xi32>
      %broadcast_in_dim3A_534 = vector.broadcast %add3A_531 : i32 to vector<16xi32>
      %select_n3A_535 = arith.select %eq3A_533, %broadcast_in_dim3A_534, %scan3A_17 : vector<16xi1>, vector<16xi32>
      scf.yield %select_n3A_535 : vector<16xi32>
    }
    %scan3A_12 = arith.constant 3 : i32
    %swap3A = arith.constant 0 : index
    %swap3A_13 = tpu.vector_load %arg6[%swap3A] {strides = array<i32>} : memref<16xi32, #tpu.memory_space<vmem>>, vector<16xi32>,
    %swap3A_14 = vector.shape_cast %swap3A_13 : vector<16xi32> to vector<16xi32>
    %swap3A_15 = vector.shape_cast %scan3A_11 : vector<16xi32> to vector<16xi32>
    tpu.vector_store %arg6[%swap3A], %swap3A_15 {strides = array<i32>} : memref<16xi32, #tpu.memory_space<vmem>>, vector<16xi32>,
    "tpu.region"() ({
      %run_scoped3A = tpu.sem_alloc : memref<!tpu.dma_semaphore, #tpu.memory_space<semaphore_mem>>
      %dma_start3A = arith.constant 0 : i32
      %dma_start3A_16 = tpu.memref_slice %arg3[%add3A, %dma_start3A] : memref<32x16xi32, #tpu.memory_space<hbm>> -> memref<1x16xi32, #tpu.memory_space<hbm>>
      %dma_start3A_17 = tpu.memref_squeeze %dma_start3A_16 : memref<1x16xi32, #tpu.memory_space<hbm>> -> memref<16xi32, #tpu.memory_space<hbm>>
      %dma_start3A_18 = arith.constant 0 : i32
      %dma_start3A_19 = tpu.memref_slice %arg3[%add3A, %dma_start3A_18] : memref<32x16xi32, #tpu.memory_space<hbm>> -> memref<1x16xi32, #tpu.memory_space<hbm>>
      %dma_start3A_20 = tpu.memref_squeeze %dma_start3A_19 : memref<1x16xi32, #tpu.memory_space<hbm>> -> memref<16xi32, #tpu.memory_space<hbm>>
      tpu.enqueue_dma source(%arg6 : memref<16xi32, #tpu.memory_space<vmem>>) target(%dma_start3A_20 : memref<16xi32, #tpu.memory_space<hbm>>) target_semaphore(%run_scoped3A : memref<!tpu.dma_semaphore, #tpu.memory_space<semaphore_mem>>)
      %dma_wait3A = arith.constant 0 : i32
      %dma_wait3A_21 = tpu.memref_slice %arg3[%add3A, %dma_wait3A] : memref<32x16xi32, #tpu.memory_space<hbm>> -> memref<1x16xi32, #tpu.memory_space<hbm>>
      %dma_wait3A_22 = tpu.memref_squeeze %dma_wait3A_21 : memref<1x16xi32, #tpu.memory_space<hbm>> -> memref<16xi32, #tpu.memory_space<hbm>>
      %dma_wait3A_23 = arith.constant 0 : i32
      %dma_wait3A_24 = tpu.memref_slice %arg3[%add3A, %dma_wait3A_23] : memref<32x16xi32, #tpu.memory_space<hbm>> -> memref<1x16xi32, #tpu.memory_space<hbm>>
      %dma_wait3A_25 = tpu.memref_squeeze %dma_wait3A_24 : memref<1x16xi32, #tpu.memory_space<hbm>> -> memref<16xi32, #tpu.memory_space<hbm>>
      tpu.wait_dma2 semaphore(%run_scoped3A : memref<!tpu.dma_semaphore, #tpu.memory_space<semaphore_mem>>) src(%arg6 : memref<16xi32, #tpu.memory_space<vmem>>) dst(%dma_wait3A_25 : memref<16xi32, #tpu.memory_space<hbm>>)
      tpu.yield
    }) : () -> ()
    return
  }
}

module attributes {stable_mosaic.version = 14 : i64} {
  func.func @_tc_body(%arg0: i32, %arg1: memref<8x384x384xf32, #tpu.memory_space<vmem>>, %arg2: memref<8x1x2xi32, #tpu.memory_space<vmem>>) attributes {dimension_semantics = [#tpu.dimension_semantics<arbitrary>], iteration_bounds = array<i64: 56>, scalar_prefetch = 0 : i64, scratch_operands = 0 : i64, tpu.core_type = #tpu.core_type<tc>, window_params = [{transform_indices = @transform_0, window_bounds = array<i64: 8, 384, 384>}, {transform_indices = @transform_1, window_bounds = array<i64: 8, 1, 2>}]} {
    %get3A = arith.constant 0 : index
    %get3A_0 = arith.constant 0 : index
    %get3A_1 = arith.constant 0 : index
    %get3A_2 = vector.load %arg1[%get3A, %get3A_0, %get3A_1] : memref<8x384x384xf32, #tpu.memory_space<vmem>>, vector<8x384x384xf32>
    %reshape3A = vector.shape_cast %get3A_2 : vector<8x384x384xf32> to vector<8x48x8x384xf32>
    %reduce_max3A = arith.constant dense<0xFF800000> : vector<8x8x384xf32>
    %reduce_max3A_3 = vector.multi_reduction <maximumf>, %reshape3A, %reduce_max3A [1] : vector<8x48x8x384xf32> to vector<8x8x384xf32>
    %reduce_max3A_4 = arith.constant dense<0xFF800000> : vector<8xf32>
    %reduce_max3A_5 = vector.multi_reduction <maximumf>, %reduce_max3A_3, %reduce_max3A_4 [1, 2] : vector<8x8x384xf32> to vector<8xf32>
    %broadcast_in_dim3A = vector.shape_cast %reduce_max3A_5 : vector<8xf32> to vector<8x1x1x1xf32>
    %iota3A = tpu.iota {dimensions = array<i32: 1>} : vector<1x4x8x384xi32>
    %iota3A_6 = tpu.iota {dimensions = array<i32: 2>} : vector<1x4x8x384xi32>
    %mul3A = arith.constant 8 : i32
    %mul3A_7 = vector.broadcast %mul3A : i32 to vector<1x4x8x384xi32>
    %mul3A_8 = arith.muli %iota3A, %mul3A_7 : vector<1x4x8x384xi32>
    %add3A = arith.addi %mul3A_8, %iota3A_6 : vector<1x4x8x384xi32>
    %get3A_9 = arith.constant 0 : index
    %get3A_10 = arith.constant 0 : index
    %get3A_11 = arith.constant 0 : index
    %get3A_12 = vector.load %arg1[%get3A_9, %get3A_10, %get3A_11] : memref<8x384x384xf32, #tpu.memory_space<vmem>>, vector<8x32x384xf32>
    %reshape3A_13 = vector.shape_cast %get3A_12 : vector<8x32x384xf32> to vector<8x4x8x384xf32>
    %eq3A = vector.broadcast %broadcast_in_dim3A : vector<8x1x1x1xf32> to vector<8x4x8x384xf32>
    %eq3A_14 = arith.cmpf oeq, %reshape3A_13, %eq3A : vector<8x4x8x384xf32>
    %jit3A = arith.constant 1048576 : i32
    %broadcast_in_dim3A_15 = vector.shape_cast %add3A : vector<1x4x8x384xi32> to vector<1x4x8x384xi32>
    %broadcast_in_dim3A_16 = vector.broadcast %broadcast_in_dim3A_15 : vector<1x4x8x384xi32> to vector<8x4x8x384xi32>
    %broadcast_in_dim3A_17 = vector.broadcast %jit3A : i32 to vector<8x4x8x384xi32>
    %select_n3A = arith.select %eq3A_14, %broadcast_in_dim3A_16, %broadcast_in_dim3A_17 : vector<8x4x8x384xi1>, vector<8x4x8x384xi32>
    %reduce_min3A = arith.constant dense<2147483647> : vector<8x8x384xi32>
    %reduce_min3A_18 = vector.multi_reduction <minsi>, %select_n3A, %reduce_min3A [1] : vector<8x4x8x384xi32> to vector<8x8x384xi32>
    %add3A_19 = arith.constant 0 : i32
    %add3A_20 = vector.broadcast %add3A_19 : i32 to vector<8x8x384xi32>
    %add3A_21 = arith.addi %reduce_min3A_18, %add3A_20 : vector<8x8x384xi32>
    %get3A_22 = arith.constant 0 : index
    %get3A_23 = arith.constant 32 : index
    %get3A_24 = arith.constant 0 : index
    %get3A_25 = vector.load %arg1[%get3A_22, %get3A_23, %get3A_24] : memref<8x384x384xf32, #tpu.memory_space<vmem>>, vector<8x32x384xf32>
    %reshape3A_26 = vector.shape_cast %get3A_25 : vector<8x32x384xf32> to vector<8x4x8x384xf32>
    %eq3A_27 = vector.broadcast %broadcast_in_dim3A : vector<8x1x1x1xf32> to vector<8x4x8x384xf32>
    %eq3A_28 = arith.cmpf oeq, %reshape3A_26, %eq3A_27 : vector<8x4x8x384xf32>
    %jit3A_29 = arith.constant 1048576 : i32
    %broadcast_in_dim3A_30 = vector.shape_cast %add3A : vector<1x4x8x384xi32> to vector<1x4x8x384xi32>
    %broadcast_in_dim3A_31 = vector.broadcast %broadcast_in_dim3A_30 : vector<1x4x8x384xi32> to vector<8x4x8x384xi32>
    %broadcast_in_dim3A_32 = vector.broadcast %jit3A_29 : i32 to vector<8x4x8x384xi32>
    %select_n3A_33 = arith.select %eq3A_28, %broadcast_in_dim3A_31, %broadcast_in_dim3A_32 : vector<8x4x8x384xi1>, vector<8x4x8x384xi32>
    %reduce_min3A_34 = arith.constant dense<2147483647> : vector<8x8x384xi32>
    %reduce_min3A_35 = vector.multi_reduction <minsi>, %select_n3A_33, %reduce_min3A_34 [1] : vector<8x4x8x384xi32> to vector<8x8x384xi32>
    %add3A_36 = arith.constant 32 : i32
    %add3A_37 = vector.broadcast %add3A_36 : i32 to vector<8x8x384xi32>
    %add3A_38 = arith.addi %reduce_min3A_35, %add3A_37 : vector<8x8x384xi32>
    %min3A = arith.minsi %add3A_21, %add3A_38 : vector<8x8x384xi32>
    %get3A_39 = arith.constant 0 : index
    %get3A_40 = arith.constant 64 : index
    %get3A_41 = arith.constant 0 : index
    %get3A_42 = vector.load %arg1[%get3A_39, %get3A_40, %get3A_41] : memref<8x384x384xf32, #tpu.memory_space<vmem>>, vector<8x32x384xf32>
    %reshape3A_43 = vector.shape_cast %get3A_42 : vector<8x32x384xf32> to vector<8x4x8x384xf32>
    %eq3A_44 = vector.broadcast %broadcast_in_dim3A : vector<8x1x1x1xf32> to vector<8x4x8x384xf32>
    %eq3A_45 = arith.cmpf oeq, %reshape3A_43, %eq3A_44 : vector<8x4x8x384xf32>
    %jit3A_46 = arith.constant 1048576 : i32
    %broadcast_in_dim3A_47 = vector.shape_cast %add3A : vector<1x4x8x384xi32> to vector<1x4x8x384xi32>
    %broadcast_in_dim3A_48 = vector.broadcast %broadcast_in_dim3A_47 : vector<1x4x8x384xi32> to vector<8x4x8x384xi32>
    %broadcast_in_dim3A_49 = vector.broadcast %jit3A_46 : i32 to vector<8x4x8x384xi32>
    %select_n3A_50 = arith.select %eq3A_45, %broadcast_in_dim3A_48, %broadcast_in_dim3A_49 : vector<8x4x8x384xi1>, vector<8x4x8x384xi32>
    %reduce_min3A_51 = arith.constant dense<2147483647> : vector<8x8x384xi32>
    %reduce_min3A_52 = vector.multi_reduction <minsi>, %select_n3A_50, %reduce_min3A_51 [1] : vector<8x4x8x384xi32> to vector<8x8x384xi32>
    %add3A_53 = arith.constant 64 : i32
    %add3A_54 = vector.broadcast %add3A_53 : i32 to vector<8x8x384xi32>
    %add3A_55 = arith.addi %reduce_min3A_52, %add3A_54 : vector<8x8x384xi32>
    %min3A_56 = arith.minsi %min3A, %add3A_55 : vector<8x8x384xi32>
    %get3A_57 = arith.constant 0 : index
    %get3A_58 = arith.constant 96 : index
    %get3A_59 = arith.constant 0 : index
    %get3A_60 = vector.load %arg1[%get3A_57, %get3A_58, %get3A_59] : memref<8x384x384xf32, #tpu.memory_space<vmem>>, vector<8x32x384xf32>
    %reshape3A_61 = vector.shape_cast %get3A_60 : vector<8x32x384xf32> to vector<8x4x8x384xf32>
    %eq3A_62 = vector.broadcast %broadcast_in_dim3A : vector<8x1x1x1xf32> to vector<8x4x8x384xf32>
    %eq3A_63 = arith.cmpf oeq, %reshape3A_61, %eq3A_62 : vector<8x4x8x384xf32>
    %jit3A_64 = arith.constant 1048576 : i32
    %broadcast_in_dim3A_65 = vector.shape_cast %add3A : vector<1x4x8x384xi32> to vector<1x4x8x384xi32>
    %broadcast_in_dim3A_66 = vector.broadcast %broadcast_in_dim3A_65 : vector<1x4x8x384xi32> to vector<8x4x8x384xi32>
    %broadcast_in_dim3A_67 = vector.broadcast %jit3A_64 : i32 to vector<8x4x8x384xi32>
    %select_n3A_68 = arith.select %eq3A_63, %broadcast_in_dim3A_66, %broadcast_in_dim3A_67 : vector<8x4x8x384xi1>, vector<8x4x8x384xi32>
    %reduce_min3A_69 = arith.constant dense<2147483647> : vector<8x8x384xi32>
    %reduce_min3A_70 = vector.multi_reduction <minsi>, %select_n3A_68, %reduce_min3A_69 [1] : vector<8x4x8x384xi32> to vector<8x8x384xi32>
    %add3A_71 = arith.constant 96 : i32
    %add3A_72 = vector.broadcast %add3A_71 : i32 to vector<8x8x384xi32>
    %add3A_73 = arith.addi %reduce_min3A_70, %add3A_72 : vector<8x8x384xi32>
    %min3A_74 = arith.minsi %min3A_56, %add3A_73 : vector<8x8x384xi32>
    %get3A_75 = arith.constant 0 : index
    %get3A_76 = arith.constant 128 : index
    %get3A_77 = arith.constant 0 : index
    %get3A_78 = vector.load %arg1[%get3A_75, %get3A_76, %get3A_77] : memref<8x384x384xf32, #tpu.memory_space<vmem>>, vector<8x32x384xf32>
    %reshape3A_79 = vector.shape_cast %get3A_78 : vector<8x32x384xf32> to vector<8x4x8x384xf32>
    %eq3A_80 = vector.broadcast %broadcast_in_dim3A : vector<8x1x1x1xf32> to vector<8x4x8x384xf32>
    %eq3A_81 = arith.cmpf oeq, %reshape3A_79, %eq3A_80 : vector<8x4x8x384xf32>
    %jit3A_82 = arith.constant 1048576 : i32
    %broadcast_in_dim3A_83 = vector.shape_cast %add3A : vector<1x4x8x384xi32> to vector<1x4x8x384xi32>
    %broadcast_in_dim3A_84 = vector.broadcast %broadcast_in_dim3A_83 : vector<1x4x8x384xi32> to vector<8x4x8x384xi32>
    %broadcast_in_dim3A_85 = vector.broadcast %jit3A_82 : i32 to vector<8x4x8x384xi32>
    %select_n3A_86 = arith.select %eq3A_81, %broadcast_in_dim3A_84, %broadcast_in_dim3A_85 : vector<8x4x8x384xi1>, vector<8x4x8x384xi32>
    %reduce_min3A_87 = arith.constant dense<2147483647> : vector<8x8x384xi32>
    %reduce_min3A_88 = vector.multi_reduction <minsi>, %select_n3A_86, %reduce_min3A_87 [1] : vector<8x4x8x384xi32> to vector<8x8x384xi32>
    %add3A_89 = arith.constant 128 : i32
    %add3A_90 = vector.broadcast %add3A_89 : i32 to vector<8x8x384xi32>
    %add3A_91 = arith.addi %reduce_min3A_88, %add3A_90 : vector<8x8x384xi32>
    %min3A_92 = arith.minsi %min3A_74, %add3A_91 : vector<8x8x384xi32>
    %get3A_93 = arith.constant 0 : index
    %get3A_94 = arith.constant 160 : index
    %get3A_95 = arith.constant 0 : index
    %get3A_96 = vector.load %arg1[%get3A_93, %get3A_94, %get3A_95] : memref<8x384x384xf32, #tpu.memory_space<vmem>>, vector<8x32x384xf32>
    %reshape3A_97 = vector.shape_cast %get3A_96 : vector<8x32x384xf32> to vector<8x4x8x384xf32>
    %eq3A_98 = vector.broadcast %broadcast_in_dim3A : vector<8x1x1x1xf32> to vector<8x4x8x384xf32>
    %eq3A_99 = arith.cmpf oeq, %reshape3A_97, %eq3A_98 : vector<8x4x8x384xf32>
    %jit3A_100 = arith.constant 1048576 : i32
    %broadcast_in_dim3A_101 = vector.shape_cast %add3A : vector<1x4x8x384xi32> to vector<1x4x8x384xi32>
    %broadcast_in_dim3A_102 = vector.broadcast %broadcast_in_dim3A_101 : vector<1x4x8x384xi32> to vector<8x4x8x384xi32>
    %broadcast_in_dim3A_103 = vector.broadcast %jit3A_100 : i32 to vector<8x4x8x384xi32>
    %select_n3A_104 = arith.select %eq3A_99, %broadcast_in_dim3A_102, %broadcast_in_dim3A_103 : vector<8x4x8x384xi1>, vector<8x4x8x384xi32>
    %reduce_min3A_105 = arith.constant dense<2147483647> : vector<8x8x384xi32>
    %reduce_min3A_106 = vector.multi_reduction <minsi>, %select_n3A_104, %reduce_min3A_105 [1] : vector<8x4x8x384xi32> to vector<8x8x384xi32>
    %add3A_107 = arith.constant 160 : i32
    %add3A_108 = vector.broadcast %add3A_107 : i32 to vector<8x8x384xi32>
    %add3A_109 = arith.addi %reduce_min3A_106, %add3A_108 : vector<8x8x384xi32>
    %min3A_110 = arith.minsi %min3A_92, %add3A_109 : vector<8x8x384xi32>
    %get3A_111 = arith.constant 0 : index
    %get3A_112 = arith.constant 192 : index
    %get3A_113 = arith.constant 0 : index
    %get3A_114 = vector.load %arg1[%get3A_111, %get3A_112, %get3A_113] : memref<8x384x384xf32, #tpu.memory_space<vmem>>, vector<8x32x384xf32>
    %reshape3A_115 = vector.shape_cast %get3A_114 : vector<8x32x384xf32> to vector<8x4x8x384xf32>
    %eq3A_116 = vector.broadcast %broadcast_in_dim3A : vector<8x1x1x1xf32> to vector<8x4x8x384xf32>
    %eq3A_117 = arith.cmpf oeq, %reshape3A_115, %eq3A_116 : vector<8x4x8x384xf32>
    %jit3A_118 = arith.constant 1048576 : i32
    %broadcast_in_dim3A_119 = vector.shape_cast %add3A : vector<1x4x8x384xi32> to vector<1x4x8x384xi32>
    %broadcast_in_dim3A_120 = vector.broadcast %broadcast_in_dim3A_119 : vector<1x4x8x384xi32> to vector<8x4x8x384xi32>
    %broadcast_in_dim3A_121 = vector.broadcast %jit3A_118 : i32 to vector<8x4x8x384xi32>
    %select_n3A_122 = arith.select %eq3A_117, %broadcast_in_dim3A_120, %broadcast_in_dim3A_121 : vector<8x4x8x384xi1>, vector<8x4x8x384xi32>
    %reduce_min3A_123 = arith.constant dense<2147483647> : vector<8x8x384xi32>
    %reduce_min3A_124 = vector.multi_reduction <minsi>, %select_n3A_122, %reduce_min3A_123 [1] : vector<8x4x8x384xi32> to vector<8x8x384xi32>
    %add3A_125 = arith.constant 192 : i32
    %add3A_126 = vector.broadcast %add3A_125 : i32 to vector<8x8x384xi32>
    %add3A_127 = arith.addi %reduce_min3A_124, %add3A_126 : vector<8x8x384xi32>
    %min3A_128 = arith.minsi %min3A_110, %add3A_127 : vector<8x8x384xi32>
    %get3A_129 = arith.constant 0 : index
    %get3A_130 = arith.constant 224 : index
    %get3A_131 = arith.constant 0 : index
    %get3A_132 = vector.load %arg1[%get3A_129, %get3A_130, %get3A_131] : memref<8x384x384xf32, #tpu.memory_space<vmem>>, vector<8x32x384xf32>
    %reshape3A_133 = vector.shape_cast %get3A_132 : vector<8x32x384xf32> to vector<8x4x8x384xf32>
    %eq3A_134 = vector.broadcast %broadcast_in_dim3A : vector<8x1x1x1xf32> to vector<8x4x8x384xf32>
    %eq3A_135 = arith.cmpf oeq, %reshape3A_133, %eq3A_134 : vector<8x4x8x384xf32>
    %jit3A_136 = arith.constant 1048576 : i32
    %broadcast_in_dim3A_137 = vector.shape_cast %add3A : vector<1x4x8x384xi32> to vector<1x4x8x384xi32>
    %broadcast_in_dim3A_138 = vector.broadcast %broadcast_in_dim3A_137 : vector<1x4x8x384xi32> to vector<8x4x8x384xi32>
    %broadcast_in_dim3A_139 = vector.broadcast %jit3A_136 : i32 to vector<8x4x8x384xi32>
    %select_n3A_140 = arith.select %eq3A_135, %broadcast_in_dim3A_138, %broadcast_in_dim3A_139 : vector<8x4x8x384xi1>, vector<8x4x8x384xi32>
    %reduce_min3A_141 = arith.constant dense<2147483647> : vector<8x8x384xi32>
    %reduce_min3A_142 = vector.multi_reduction <minsi>, %select_n3A_140, %reduce_min3A_141 [1] : vector<8x4x8x384xi32> to vector<8x8x384xi32>
    %add3A_143 = arith.constant 224 : i32
    %add3A_144 = vector.broadcast %add3A_143 : i32 to vector<8x8x384xi32>
    %add3A_145 = arith.addi %reduce_min3A_142, %add3A_144 : vector<8x8x384xi32>
    %min3A_146 = arith.minsi %min3A_128, %add3A_145 : vector<8x8x384xi32>
    %get3A_147 = arith.constant 0 : index
    %get3A_148 = arith.constant 256 : index
    %get3A_149 = arith.constant 0 : index
    %get3A_150 = vector.load %arg1[%get3A_147, %get3A_148, %get3A_149] : memref<8x384x384xf32, #tpu.memory_space<vmem>>, vector<8x32x384xf32>
    %reshape3A_151 = vector.shape_cast %get3A_150 : vector<8x32x384xf32> to vector<8x4x8x384xf32>
    %eq3A_152 = vector.broadcast %broadcast_in_dim3A : vector<8x1x1x1xf32> to vector<8x4x8x384xf32>
    %eq3A_153 = arith.cmpf oeq, %reshape3A_151, %eq3A_152 : vector<8x4x8x384xf32>
    %jit3A_154 = arith.constant 1048576 : i32
    %broadcast_in_dim3A_155 = vector.shape_cast %add3A : vector<1x4x8x384xi32> to vector<1x4x8x384xi32>
    %broadcast_in_dim3A_156 = vector.broadcast %broadcast_in_dim3A_155 : vector<1x4x8x384xi32> to vector<8x4x8x384xi32>
    %broadcast_in_dim3A_157 = vector.broadcast %jit3A_154 : i32 to vector<8x4x8x384xi32>
    %select_n3A_158 = arith.select %eq3A_153, %broadcast_in_dim3A_156, %broadcast_in_dim3A_157 : vector<8x4x8x384xi1>, vector<8x4x8x384xi32>
    %reduce_min3A_159 = arith.constant dense<2147483647> : vector<8x8x384xi32>
    %reduce_min3A_160 = vector.multi_reduction <minsi>, %select_n3A_158, %reduce_min3A_159 [1] : vector<8x4x8x384xi32> to vector<8x8x384xi32>
    %add3A_161 = arith.constant 256 : i32
    %add3A_162 = vector.broadcast %add3A_161 : i32 to vector<8x8x384xi32>
    %add3A_163 = arith.addi %reduce_min3A_160, %add3A_162 : vector<8x8x384xi32>
    %min3A_164 = arith.minsi %min3A_146, %add3A_163 : vector<8x8x384xi32>
    %get3A_165 = arith.constant 0 : index
    %get3A_166 = arith.constant 288 : index
    %get3A_167 = arith.constant 0 : index
    %get3A_168 = vector.load %arg1[%get3A_165, %get3A_166, %get3A_167] : memref<8x384x384xf32, #tpu.memory_space<vmem>>, vector<8x32x384xf32>
    %reshape3A_169 = vector.shape_cast %get3A_168 : vector<8x32x384xf32> to vector<8x4x8x384xf32>
    %eq3A_170 = vector.broadcast %broadcast_in_dim3A : vector<8x1x1x1xf32> to vector<8x4x8x384xf32>
    %eq3A_171 = arith.cmpf oeq, %reshape3A_169, %eq3A_170 : vector<8x4x8x384xf32>
    %jit3A_172 = arith.constant 1048576 : i32
    %broadcast_in_dim3A_173 = vector.shape_cast %add3A : vector<1x4x8x384xi32> to vector<1x4x8x384xi32>
    %broadcast_in_dim3A_174 = vector.broadcast %broadcast_in_dim3A_173 : vector<1x4x8x384xi32> to vector<8x4x8x384xi32>
    %broadcast_in_dim3A_175 = vector.broadcast %jit3A_172 : i32 to vector<8x4x8x384xi32>
    %select_n3A_176 = arith.select %eq3A_171, %broadcast_in_dim3A_174, %broadcast_in_dim3A_175 : vector<8x4x8x384xi1>, vector<8x4x8x384xi32>
    %reduce_min3A_177 = arith.constant dense<2147483647> : vector<8x8x384xi32>
    %reduce_min3A_178 = vector.multi_reduction <minsi>, %select_n3A_176, %reduce_min3A_177 [1] : vector<8x4x8x384xi32> to vector<8x8x384xi32>
    %add3A_179 = arith.constant 288 : i32
    %add3A_180 = vector.broadcast %add3A_179 : i32 to vector<8x8x384xi32>
    %add3A_181 = arith.addi %reduce_min3A_178, %add3A_180 : vector<8x8x384xi32>
    %min3A_182 = arith.minsi %min3A_164, %add3A_181 : vector<8x8x384xi32>
    %get3A_183 = arith.constant 0 : index
    %get3A_184 = arith.constant 320 : index
    %get3A_185 = arith.constant 0 : index
    %get3A_186 = vector.load %arg1[%get3A_183, %get3A_184, %get3A_185] : memref<8x384x384xf32, #tpu.memory_space<vmem>>, vector<8x32x384xf32>
    %reshape3A_187 = vector.shape_cast %get3A_186 : vector<8x32x384xf32> to vector<8x4x8x384xf32>
    %eq3A_188 = vector.broadcast %broadcast_in_dim3A : vector<8x1x1x1xf32> to vector<8x4x8x384xf32>
    %eq3A_189 = arith.cmpf oeq, %reshape3A_187, %eq3A_188 : vector<8x4x8x384xf32>
    %jit3A_190 = arith.constant 1048576 : i32
    %broadcast_in_dim3A_191 = vector.shape_cast %add3A : vector<1x4x8x384xi32> to vector<1x4x8x384xi32>
    %broadcast_in_dim3A_192 = vector.broadcast %broadcast_in_dim3A_191 : vector<1x4x8x384xi32> to vector<8x4x8x384xi32>
    %broadcast_in_dim3A_193 = vector.broadcast %jit3A_190 : i32 to vector<8x4x8x384xi32>
    %select_n3A_194 = arith.select %eq3A_189, %broadcast_in_dim3A_192, %broadcast_in_dim3A_193 : vector<8x4x8x384xi1>, vector<8x4x8x384xi32>
    %reduce_min3A_195 = arith.constant dense<2147483647> : vector<8x8x384xi32>
    %reduce_min3A_196 = vector.multi_reduction <minsi>, %select_n3A_194, %reduce_min3A_195 [1] : vector<8x4x8x384xi32> to vector<8x8x384xi32>
    %add3A_197 = arith.constant 320 : i32
    %add3A_198 = vector.broadcast %add3A_197 : i32 to vector<8x8x384xi32>
    %add3A_199 = arith.addi %reduce_min3A_196, %add3A_198 : vector<8x8x384xi32>
    %min3A_200 = arith.minsi %min3A_182, %add3A_199 : vector<8x8x384xi32>
    %get3A_201 = arith.constant 0 : index
    %get3A_202 = arith.constant 352 : index
    %get3A_203 = arith.constant 0 : index
    %get3A_204 = vector.load %arg1[%get3A_201, %get3A_202, %get3A_203] : memref<8x384x384xf32, #tpu.memory_space<vmem>>, vector<8x32x384xf32>
    %reshape3A_205 = vector.shape_cast %get3A_204 : vector<8x32x384xf32> to vector<8x4x8x384xf32>
    %eq3A_206 = vector.broadcast %broadcast_in_dim3A : vector<8x1x1x1xf32> to vector<8x4x8x384xf32>
    %eq3A_207 = arith.cmpf oeq, %reshape3A_205, %eq3A_206 : vector<8x4x8x384xf32>
    %jit3A_208 = arith.constant 1048576 : i32
    %broadcast_in_dim3A_209 = vector.shape_cast %add3A : vector<1x4x8x384xi32> to vector<1x4x8x384xi32>
    %broadcast_in_dim3A_210 = vector.broadcast %broadcast_in_dim3A_209 : vector<1x4x8x384xi32> to vector<8x4x8x384xi32>
    %broadcast_in_dim3A_211 = vector.broadcast %jit3A_208 : i32 to vector<8x4x8x384xi32>
    %select_n3A_212 = arith.select %eq3A_207, %broadcast_in_dim3A_210, %broadcast_in_dim3A_211 : vector<8x4x8x384xi1>, vector<8x4x8x384xi32>
    %reduce_min3A_213 = arith.constant dense<2147483647> : vector<8x8x384xi32>
    %reduce_min3A_214 = vector.multi_reduction <minsi>, %select_n3A_212, %reduce_min3A_213 [1] : vector<8x4x8x384xi32> to vector<8x8x384xi32>
    %add3A_215 = arith.constant 352 : i32
    %add3A_216 = vector.broadcast %add3A_215 : i32 to vector<8x8x384xi32>
    %add3A_217 = arith.addi %reduce_min3A_214, %add3A_216 : vector<8x8x384xi32>
    %min3A_218 = arith.minsi %min3A_200, %add3A_217 : vector<8x8x384xi32>
    %iota3A_219 = tpu.iota {dimensions = array<i32: 2>} : vector<1x8x384xi32>
    %lt3A = arith.constant 384 : i32
    %lt3A_220 = vector.broadcast %lt3A : i32 to vector<8x8x384xi32>
    %lt3A_221 = arith.cmpi slt, %min3A_218, %lt3A_220 : vector<8x8x384xi32>
    %mul3A_222 = arith.constant 384 : i32
    %mul3A_223 = vector.broadcast %mul3A_222 : i32 to vector<8x8x384xi32>
    %mul3A_224 = arith.muli %min3A_218, %mul3A_223 : vector<8x8x384xi32>
    %add3A_225 = vector.broadcast %iota3A_219 : vector<1x8x384xi32> to vector<8x8x384xi32>
    %add3A_226 = arith.addi %mul3A_224, %add3A_225 : vector<8x8x384xi32>
    %jit3A_227 = arith.constant 1048576 : i32
    %broadcast_in_dim3A_228 = vector.broadcast %jit3A_227 : i32 to vector<8x8x384xi32>
    %select_n3A_229 = arith.select %lt3A_221, %add3A_226, %broadcast_in_dim3A_228 : vector<8x8x384xi1>, vector<8x8x384xi32>
    %reduce_min3A_230 = arith.constant dense<2147483647> : vector<8xi32>
    %reduce_min3A_231 = vector.multi_reduction <minsi>, %select_n3A_229, %reduce_min3A_230 [1, 2] : vector<8x8x384xi32> to vector<8xi32>
    %jit3A_232 = arith.constant 384 : i32
    %eq3A_233 = arith.constant 0 : i32
    %eq3A_234 = arith.cmpi eq, %jit3A_232, %eq3A_233 : i32
    %jit3A_235 = arith.constant 1 : i32
    %select_n3A_236 = arith.select %eq3A_234, %jit3A_235, %jit3A_232 : i32
    %rem3A = vector.broadcast %select_n3A_236 : i32 to vector<8xi32>
    %rem3A_237 = arith.remsi %reduce_min3A_231, %rem3A : vector<8xi32>
    %ne3A = arith.constant 0 : i32
    %ne3A_238 = vector.broadcast %ne3A : i32 to vector<8xi32>
    %ne3A_239 = arith.cmpi ne, %rem3A_237, %ne3A_238 : vector<8xi32>
    %lt3A_240 = arith.constant 0 : i32
    %lt3A_241 = vector.broadcast %lt3A_240 : i32 to vector<8xi32>
    %lt3A_242 = arith.cmpi slt, %rem3A_237, %lt3A_241 : vector<8xi32>
    %lt3A_243 = arith.constant 0 : i32
    %lt3A_244 = arith.cmpi slt, %select_n3A_236, %lt3A_243 : i32
    %ne3A_245 = vector.broadcast %lt3A_244 : i1 to vector<8xi1>
    %ne3A_246 = vector.broadcast %ne3A_245 : vector<8xi1> to vector<8xi1>
    %ne3A_247 = arith.xori %lt3A_242, %ne3A_246 : vector<8xi1>
    %and3A = arith.andi %ne3A_247, %ne3A_239 : vector<8xi1>
    %add3A_248 = vector.broadcast %select_n3A_236 : i32 to vector<8xi32>
    %add3A_249 = arith.addi %rem3A_237, %add3A_248 : vector<8xi32>
    %select_n3A_250 = arith.select %and3A, %add3A_249, %rem3A_237 : vector<8xi1>, vector<8xi32>
    %jit3A_251 = arith.constant 384 : i32
    %div3A = vector.broadcast %jit3A_251 : i32 to vector<8xi32>
    %div3A_252 = arith.divsi %reduce_min3A_231, %div3A : vector<8xi32>
    %sign3A = arith.constant 0 : i32
    %sign3A_253 = vector.broadcast %sign3A : i32 to vector<8xi32>
    %sign3A_254 = arith.cmpi sgt, %reduce_min3A_231, %sign3A_253 : vector<8xi32>
    %sign3A_255 = arith.extui %sign3A_254 : vector<8xi1> to vector<8xi32>
    %sign3A_256 = arith.constant 0 : i32
    %sign3A_257 = vector.broadcast %sign3A_256 : i32 to vector<8xi32>
    %sign3A_258 = arith.cmpi slt, %reduce_min3A_231, %sign3A_257 : vector<8xi32>
    %sign3A_259 = arith.extui %sign3A_258 : vector<8xi1> to vector<8xi32>
    %sign3A_260 = arith.subi %sign3A_255, %sign3A_259 : vector<8xi32>
    %sign3A_261 = arith.constant 0 : i32
    %sign3A_262 = arith.cmpi sgt, %jit3A_251, %sign3A_261 : i32
    %sign3A_263 = arith.extui %sign3A_262 : i1 to i32
    %sign3A_264 = arith.constant 0 : i32
    %sign3A_265 = arith.cmpi slt, %jit3A_251, %sign3A_264 : i32
    %sign3A_266 = arith.extui %sign3A_265 : i1 to i32
    %sign3A_267 = arith.subi %sign3A_263, %sign3A_266 : i32
    %ne3A_268 = vector.broadcast %sign3A_267 : i32 to vector<8xi32>
    %ne3A_269 = arith.cmpi ne, %sign3A_260, %ne3A_268 : vector<8xi32>
    %rem3A_270 = vector.broadcast %jit3A_251 : i32 to vector<8xi32>
    %rem3A_271 = arith.remsi %reduce_min3A_231, %rem3A_270 : vector<8xi32>
    %ne3A_272 = arith.constant 0 : i32
    %ne3A_273 = vector.broadcast %ne3A_272 : i32 to vector<8xi32>
    %ne3A_274 = arith.cmpi ne, %rem3A_271, %ne3A_273 : vector<8xi32>
    %and3A_275 = arith.andi %ne3A_269, %ne3A_274 : vector<8xi1>
    %sub3A = arith.constant 1 : i32
    %sub3A_276 = vector.broadcast %sub3A : i32 to vector<8xi32>
    %sub3A_277 = arith.subi %div3A_252, %sub3A_276 : vector<8xi32>
    %select_n3A_278 = arith.select %and3A_275, %sub3A_277, %div3A_252 : vector<8xi1>, vector<8xi32>
    %iota3A_279 = tpu.iota {dimensions = array<i32: 2>} : vector<1x1x2xi32>
    %eq3A_280 = arith.constant 0 : i32
    %eq3A_281 = vector.broadcast %eq3A_280 : i32 to vector<1x1x2xi32>
    %eq3A_282 = arith.cmpi eq, %iota3A_279, %eq3A_281 : vector<1x1x2xi32>
    %broadcast_in_dim3A_283 = vector.shape_cast %select_n3A_250 : vector<8xi32> to vector<8x1x1xi32>
    %broadcast_in_dim3A_284 = vector.shape_cast %select_n3A_278 : vector<8xi32> to vector<8x1x1xi32>
    %broadcast_in_dim3A_285 = vector.shape_cast %eq3A_282 : vector<1x1x2xi1> to vector<1x1x2xi1>
    %broadcast_in_dim3A_286 = vector.broadcast %broadcast_in_dim3A_285 : vector<1x1x2xi1> to vector<8x1x2xi1>
    %broadcast_in_dim3A_287 = vector.shape_cast %broadcast_in_dim3A_283 : vector<8x1x1xi32> to vector<8x1x1xi32>
    %broadcast_in_dim3A_288 = vector.broadcast %broadcast_in_dim3A_287 : vector<8x1x1xi32> to vector<8x1x2xi32>
    %broadcast_in_dim3A_289 = vector.shape_cast %broadcast_in_dim3A_284 : vector<8x1x1xi32> to vector<8x1x1xi32>
    %broadcast_in_dim3A_290 = vector.broadcast %broadcast_in_dim3A_289 : vector<8x1x1xi32> to vector<8x1x2xi32>
    %select_n3A_291 = arith.select %broadcast_in_dim3A_286, %broadcast_in_dim3A_288, %broadcast_in_dim3A_290 : vector<8x1x2xi1>, vector<8x1x2xi32>
    %swap3A = arith.constant 0 : index
    %swap3A_292 = arith.constant 0 : index
    %swap3A_293 = arith.constant 0 : index
    %swap3A_294 = vector.load %arg2[%swap3A, %swap3A_292, %swap3A_293] : memref<8x1x2xi32, #tpu.memory_space<vmem>>, vector<8x1x2xi32>
    tpu.vector_store %arg2[%swap3A, %swap3A_292, %swap3A_293], %select_n3A_291 {strides = array<i32>} : memref<8x1x2xi32, #tpu.memory_space<vmem>>, vector<8x1x2xi32>,
    return
  }
  func.func @transform_0(%arg0: i32) -> (i32, i32, i32) {
    %c0_i32 = arith.constant 0 : i32
    %c0_i32_0 = arith.constant 0 : i32
    %c0_i32_1 = arith.constant 0 : i32
    return %arg0, %c0_i32, %c0_i32_0 : i32, i32, i32
  }
  func.func @transform_1(%arg0: i32) -> (i32, i32, i32) {
    %c0_i32 = arith.constant 0 : i32
    %c0_i32_0 = arith.constant 0 : i32
    %c0_i32_1 = arith.constant 0 : i32
    return %arg0, %c0_i32, %c0_i32_0 : i32, i32, i32
  }
}

</mosaic_0001>

<sc_bundles>
// kernel: kernel.4.cloned.1.call-start
scs
__scs_entry_jumppad:
0x0: {  	(pc) =	sbr.rel $0x88, $3  }
0x1: {  	(tag) =	ssettag $0x0;
	lr =	simm.s32 $0x1  }
0x2: {  	[smem:$0x3FA0] =	sst lr;
	_ =	strace $0xD0000000  }
0x3: {  	_ = 	snop  }
0x4: {  	_ = 	snop  }
0x5: {  	_ = 	snop  }
0x6: {  	_ = 	snop  }
0x7: {  	_ = 	snop  }
__scs_overlays_trampoline_lowered:
0x8: {  	[smem:$0x3FAF] =	sst s0  }
0x9: {  	[smem:$0x3FB0] =	sst s1  }
0xa: {  	[smem:$0x3FB1] =	sst s2  }
0xb: {  	[smem:$0x3FB2] =	sst s3  }
0xc: {  	[smem:$0x3FB3] =	sst s4  }
0xd: {  	[smem:$0x3FB4] =	sst s5  }
0xe: {  	[smem:$0x3FB5] =	sst s6  }
0xf: {  	[smem:$0x3FB6] =	sst s7  }
0x10: {  	[smem:$0x3FB7] =	sst s8  }
0x11: {  	[smem:$0x3FB8] =	sst s9;
	s0 =	simm.s32 @!p0 $0x0  }
0x12: {  	s1 =	sld [smem:$0x3F9E];
	s0 =	simm.s32 @p0 $0x1  }
0x13: {  	[smem:$0x3FB9] =	sst s0;
	s0 =	simm.s32 @!p1 $0x0  }
0x14: {  	s2 =	sld [smem:$0x3F9D];
	s0 =	simm.s32 @p1 $0x1  }
0x15: {  	[smem:$0x3FBA] =	sst s0;
	s0 =	simm.s32 @!p2 $0x0  }
0x16: {  	s3 =	sld [smem:$0x3FDB];
	s0 =	simm.s32 @p2 $0x1  }
0x17: {  	s4 =	simm.s32 $0x1BF5;
	[smem:$0x3FBC] =	sst s0  }
0x18: {  	s0 =	sld [smem:$0x3F9F];
	_ =	swait.ge [sflag:s4], $0x0  }
0x19: {  	s7 =	sld [smem:$0x3FA0]  }
0x1a: {  	s8 =	sadd.s32 $0xFFFFE003, lr  }
0x1b: {  	s9 =	sadd.s32 $0xFFFFFEF7, lr;
	s5 =	simm.s32 $0xFFFFFFFF;
	p2 =	slt.u32 s8, $0xFFFFF086  }
0x1c: {  	p1 =	slt.u32 s9, $0xF7A;
	s5 =	simm.s32 @!p2 $0x0  }
0x1d: {  	s5 =	simm.s32 @p1 $0x1;
	p0 =	seq.s32 s7, s2  }
0x1e: {  	s7 =	smul.u32 @!p0 $0xF7A, s2;
	p2 =	seq.s32 @!p0 s5, $0x0  }
0x1f: {  	s9 =	smul.u32 $0xF7A, s1;
	s8 =	simm.s32 @!p0 $0x1BF5;
	p2 =	por !p2, p0  }
0x20: {  	[sflag:s8] =	ssyncset.s32 @!p0 $0xFFFFF086;
	s6 =	sadd.s32 @!p0 s3, s7;
	s7 =	simm.s32 @!p0 $0x108  }
0x21: {  	s3 =	sadd.s32 s3, s9;
	s6 =	sadd.s32 @!p0 $0x88, s6;
	s7 =	simm.s32 @p2 $0x1082  }
0x22: {  	[simem:s7], [sflag:s8] =	dma.local @!p0 [hbm:s6], $0xF7A  }
0x23: {  	s9 =	sor.u32 $0xD0000000, s2;
	s6 =	simm.s32 $0x108;
	_ =	swait.ge @!p0 [sflag:s8], $0x0  }
0x24: {  	s3 =	sadd.s32 $0x88, s3;
	s6 =	simm.s32 @!p1 $0x1082;
	[sflag:s4] =	ssyncset.s32 $0xFFFFF086  }
0x25: {  	[simem:s6], [sflag:s4] =	dma.local [hbm:s3], $0xF7A  }
0x26: {  	[smem:$0x3FA0] =	sst s1;
	(tag) =	ssettag s2;
	_ =	strace s9  }
0x27: {  	s1 =	sld [smem:$0x3FB0]  }
0x28: {  	s2 =	sld [smem:$0x3FB1]  }
0x29: {  	s4 =	sld [smem:$0x3FB3]  }
0x2a: {  	p0 =	seq.s32 s5, $0x0;
	s5 =	sld [smem:$0x3FB4]  }
0x2b: {  	s6 =	sld [smem:$0x3FB5]  }
0x2c: {  	s7 =	sld [smem:$0x3FB6]  }
0x2d: {  	s3 =	simm.s32 $0x108;
	s8 =	sld [smem:$0x3FB7]  }
0x2e: {  	s3 =	simm.s32 @!p0 $0x1082;
	s9 =	sld [smem:$0x3FB8]  }
0x2f: {  	lr =	sadd.s32 s0, s3;
	s0 =	sld [smem:$0x3FAF]  }
0x30: {  	s3 =	sld [smem:$0x3FB2]  }
0x31: {  	[smem:$0x3FBB] =	sst s10  }
0x32: {  	s10 =	sld [smem:$0x3FB9];
	_ =	sdelay $0x3  }
0x33: {  	p0 =	seq.s32 s10, $0x1;
	s10 =	sld [smem:$0x3FBB];
	_ =	sdelay $0x3  }
0x34: {  	[smem:$0x3FBB] =	sst s10  }
0x35: {  	s10 =	sld [smem:$0x3FBA];
	_ =	sdelay $0x3  }
0x36: {  	p1 =	seq.s32 s10, $0x1;
	s10 =	sld [smem:$0x3FBB];
	_ =	sdelay $0x3  }
0x37: {  	[smem:$0x3FBB] =	sst s10  }
0x38: {  	s10 =	sld [smem:$0x3FBC]  }
0x39: {  	_ = 	snop;
	(pc) =	sbr.ind lr, $3  }
0x3a: {  	_ = 	snop  }
0x3b: {  	_ = 	snop  }
0x3c: {  	p2 =	seq.s32 s10, $0x1;
	s10 =	sld [smem:$0x3FBB]  }
0x3d: {  	_ =	shalt  }
0x3e: {  	_ =	shalt  }
0x3f: {  	_ =	shalt  }
0x40: {  	_ =	shalt  }
0x41: {  	_ =	shalt  }
0x42: {  	_ =	shalt  }
0x43: {  	_ =	shalt  }
0x44: {  	_ =	shalt  }
0x45: {  	_ =	shalt  }
0x46: {  	_ =	shalt  }
0x47: {  	_ =	shalt  }
0x48: {  	_ =	shalt  }
0x49: {  	_ =	shalt  }
0x4a: {  	_ =	shalt  }
0x4b: {  	_ =	shalt  }
0x4c: {  	_ =	shalt  }
0x4d: {  	_ =	shalt  }
0x4e: {  	_ =	shalt  }
0x4f: {  	_ =	shalt  }
0x50: {  	_ =	shalt  }
0x51: {  	_ =	shalt  }
0x52: {  	_ =	shalt  }
0x53: {  	_ =	shalt  }
0x54: {  	_ =	shalt  }
0x55: {  	_ =	shalt  }
0x56: {  	_ =	shalt  }
0x57: {  	_ =	shalt  }
0x58: {  	_ =	shalt  }
0x59: {  	_ =	shalt  }
0x5a: {  	_ =	shalt  }
0x5b: {  	_ =	shalt  }
0x5c: {  	_ =	shalt  }
0x5d: {  	_ =	shalt  }
0x5e: {  	_ =	shalt  }
0x5f: {  	_ =	shalt  }
0x60: {  	_ =	shalt  }
0x61: {  	_ =	shalt  }
0x62: {  	_ =	shalt  }
0x63: {  	_ =	shalt  }
0x64: {  	_ =	shalt  }
0x65: {  	_ =	shalt  }
0x66: {  	_ =	shalt  }
0x67: {  	_ =	shalt  }
0x68: {  	_ =	shalt  }
0x69: {  	_ =	shalt  }
0x6a: {  	_ =	shalt  }
0x6b: {  	_ =	shalt  }
0x6c: {  	_ =	shalt  }
0x6d: {  	_ =	shalt  }
0x6e: {  	_ =	shalt  }
0x6f: {  	_ =	shalt  }
0x70: {  	_ =	shalt  }
0x71: {  	_ =	shalt  }
0x72: {  	_ =	shalt  }
0x73: {  	_ =	shalt  }
0x74: {  	_ =	shalt  }
0x75: {  	_ =	shalt  }
0x76: {  	_ =	shalt  }
0x77: {  	_ =	shalt  }
0x78: {  	_ =	shalt  }
0x79: {  	_ =	shalt  }
0x7a: {  	_ =	shalt  }
0x7b: {  	_ =	shalt  }
0x7c: {  	_ =	shalt  }
0x7d: {  	_ =	shalt  }
0x7e: {  	_ =	shalt  }
0x7f: {  	_ =	shalt  }
0x80: {  	_ =	shalt  }
0x81: {  	_ =	shalt  }
0x82: {  	_ =	shalt  }
0x83: {  	_ =	shalt  }
0x84: {  	_ =	shalt  }
0x85: {  	_ =	shalt  }
0x86: {  	_ =	shalt  }
0x87: {  	_ =	shalt  }
.Lfunc_end0:
.L_simem_size_0:
called_computation_lowered:
.L_overlay_start_0:
0x88: {  	s2 =	sld [smem:$0x3FD9]  }
0x89: {  	s3 =	sld [smem:$0x3FFE];
	_ =	sdelay $0x1  }
0x8a: {  	s1 =	srdreg.scid  }
0x8b: {  	s0 =	sand.u32 $0x1, s1  }
0x8c: {  	s17 =	sshll.u32 s0, $0xA;
	s2 =	sadd.s32 s3, s2  }
0x8d: {  	s2 =	sadd.s32 s2, s17  }
0x8e: {  	[smem:$0x3FC7] =	sst s2  }
0x8f: {  	_ = 	snop  }
0x90: {  	s2 =	sld [smem:$0x3FD0];
	(tm) =	ssettm $0x1  }
0x91: {  	s18 =	sld [smem:$0x3FFB];
	_ =	sdelay $0x3  }
0x92: {  	_ =	strace s18  }
0x93: {  	s3 =	sld [smem:$0x3FFC];
	_ =	sdelay $0x3  }
0x94: {  	_ =	strace s3  }
0x95: {  	s3 =	sld [smem:$0x3FFD];
	_ =	sdelay $0x3  }
0x96: {  	_ =	strace s3  }
0x97: {  	_ =	strace $0x8FFFFFFF  }
0x98: {  	s19 =	sld [smem:$0x3FDB];
	_ =	sdelay $0x1  }
0x99: {  	s4 =	simm.s32 $_scs_section_size  }
0x9a: {  	s5 =	simm.s32 $_size__tile_overlayer_lowered;
	s6 =	simm.s32 $_tile_overlayer_lowered  }
0x9b: {  	s22 =	simm.s32 $0x1BFF;
	s21 =	sshll.u32 s6, $0x1;
	s3 =	sadd.s32 s4, s19  }
0x9c: {  	s7 =	simm.s32 $0x0;
	s20 =	sshll.u32 s5, $0x1;
	s5 =	sadd.s32 s21, s3  }
0x9d: {  	[timem:s7], [sflag:s22] =	dma.local [hbm:s5], s20  }
0x9e: {  	_ =	swait.ge [sflag:s22], s20  }
0x9f: {  	s4 =	ssub.s32 $0x0, s20;
	[sflag:s22] =	ssyncset.done $0x0  }
0xa0: {  	[sflag:s22] =	ssyncadd.s32 s4;
	_ =	sdelay $0x1  }
0xa1: {  	s23 =	simm.s32 $0x1B8B  }
0xa2: {  	_ =	swait.ge [sflag:s23], $0x1  }
0xa3: {  	[sflag:s23] =	ssyncset.done $0x0  }
0xa4: {  	s25 =	simm.s32 $0x1B8E;
	s24 =	sld [smem:$0x3FFE];
	[sflag:s23] =	ssyncadd.s32 $0xFFFFFFFF  }
0xa5: {  	s26 =	simm.s32 $execute0_lowered;
	[smem:$0x3FD2] =	sst s25  }
0xa6: {  	s5 =	sshll.u32 s26, $0x1;
	_ =	strace $0x80000046;
	[dreg:$0x1] =	wrdreg $0xFFFFFFFF  }
0xa7: {  	s28 =	simm.s32 $_size_execute0_lowered;
	s3 =	sadd.s32 s3, s5;
	[dreg:$0x0] =	wrdreg $0x0  }
0xa8: {  	s5 =	sshll.u32 s28, $0x1;
	[dreg:$0x2] =	wrdreg s3  }
0xa9: {  	[dreg:$0x3] =	wrdreg s5  }
0xaa: {  	[dreg:$0x4] =	wrdreg $0xC0  }
0xab: {  	_ =	task [dreg:s7], $0x5FFFF  }
0xac: {  	[dreg:$0x1] =	wrdreg $0xFFFFFFFF  }
0xad: {  	[dreg:$0x0] =	wrdreg $0x60  }
0xae: {  	[dreg:$0x2] =	wrdreg s24  }
0xaf: {  	[dreg:$0x3] =	wrdreg s2  }
0xb0: {  	[dreg:$0x4] =	wrdreg $0x9  }
0xb1: {  	_ =	task.clear_ibuf [dreg:s7], $0x5FFFF;
	_ =	strace $0x90000046  }
0xb2: {  	s29 =	simm.s32 $0x9;
	_ =	strace $0x80000048  }
0xb3: {  	_ =	swait.ge [sflag:s29], $0x1  }
0xb4: {  	[sflag:s29] =	ssyncadd.s32 $0xFFFFFFFF  }
0xb5: {  	_ =	strace $0x90000048  }
0xb6: {  	_ =	sfence  }
0xb7: {  	s30 =	sld [smem:$0x0];
	_ =	sdelay $0x2  }
0xb8: {  	s31 =	sshll.u32 s1, $0xD;
	s1 =	sshrl.u32 s1, $0x2  }
0xb9: {  	s3 =	sand.u32 $0x4000, s31;
	s1 =	sadd.s32 s1, s30  }
0xba: {  	s0 =	sor.u32 s3, s0;
	s1 =	sshll.u32 s1, $0x11  }
0xbb: {  	s0 =	sor.u32 s1, s0  }
0xbc: {  	s0 =	sadd.s32 $0x8F2B, s0  }
0xbd: {  	[sflag:s0] =	ssyncadd.remote.s32 $0x1  }
0xbe: {  	_ =	sfence.sel $0xFFFF  }
0xbf: {  	[dreg:$0x0] =	wrdreg $0xFFFFFFFF;
	(pc) =	sbr.abs _section_cstart, $3  }
0xc0: {  	[dreg:$0x1] =	wrdreg $0xFFFFFFFF  }
0xc1: {  	_ =	task.clear_ibuf [dreg:s7], $0x2FFFF;
	_ =	strace $0x9FFFFFFF  }
0xc2: {  	(tm) =	ssettm $0x7FFFFFFF  }
0xc3: {  	_ =	shalt  }
tec
execute0_lowered:
.L_overlay_start_1:
0x0: {  	(tag) =	ssettag $0x1  }
0x1: {  	v0 =	vimm.s32 $0xFEDCBA98  }
0x2: {  	v1 =	vimm.s32 $0x76543210;
	s3 =	rddreg [dreg:$0x0];
	v2 =	vimm.s32 $0xBA98FEDC;
	v3 =	vimm.s32 $0x32107654  }
0x3: {  	s6 =	rddreg [dreg:$0x1];
	v4 =	vimm.s32 $0xDCFE98BA;
	v5 =	vimm.s32 $0x54761032;
	v6 =	vimm.s32 $0xEFCDAB89  }
0x4: {  	s1 =	simm.s32 $0x0;
	s0 =	rddreg [dreg:$0x2];
	s4 =	srdreg.scid;
	v7 =	vimm.s32 $0x67452301;
	v0 =	vunpack.c.l.s4.s8 v0;
	v1 =	vunpack.c.l.s4.s8 v1  }
0x5: {  	s2 =	stileid.u32;
	s9 =	simm.s32 $0x4000;
	s10 =	simm.s32 $0x2;
	v2 =	vunpack.c.l.s4.s8 v2;
	v3 =	vunpack.c.l.s4.s8 v3;
	v4 =	vunpack.c.l.s4.s8 v4  }
0x6: {  	s11 =	simm.s32 $0x3;
	s12 =	simm.s32 $0x8000;
	s13 =	simm.s32 $0x0;
	v5 =	vunpack.c.l.s4.s8 v5;
	v6 =	vunpack.c.l.s4.s8 v6;
	v7 =	vunpack.c.l.s4.s8 v7  }
0x7: {  	[smem:$0x7FF] =	sst s1;
	s4 =	sand.u32 $0x1, s4;
	s7 =	sshll.u32 s2, $0x1;
	v0 =	vunpack.c.0.s8.s32 v0;
	v1 =	vunpack.c.0.s8.s32 v1;
	v2 =	vunpack.c.0.s8.s32 v2  }
0x8: {  	s3 =	sadd.s32 $0x1B0800, s3;
	s5 =	ssub.s32 $0x2, s4;
	s7 =	sor.u32 s4, s7;
	v3 =	vunpack.c.0.s8.s32 v3;
	v4 =	vunpack.c.0.s8.s32 v4;
	v5 =	vunpack.c.0.s8.s32 v5  }
0x9: {  	_ =	strace $0x80000047;
	s8 =	sshrl.u32 s5, $0x1;
	s4 =	smul.u32 $0x6C000, s7;
	v6 =	vunpack.c.0.s8.s32 v6;
	v7 =	vunpack.c.0.s8.s32 v7;
	v0 =	vand.u32 $0xF, v0  }
0xa: {  	s7 =	sshll.u32 s7, $0x4;
	s8 =	ssub.s32 s5, s8;
	s5 =	sadd.s32 $0x3FEA, s2;
	v0 =	vcombine.low v0, v1;
	v1 =	vcombine.low v3, v2  }
0xb: {  	s6 =	sadd.s32 s6, s7;
	s7 =	smax.u32 s8, $0x1;
	s8 =	simm.s32 $0x1;
	v2 =	vcombine.low v5, v4;
	v3 =	vcombine.low v7, v6;
	v4 =	vlaneseq.u32  }
.LBB2_1:
0xc: {  	v5 =	vimm.s32 $0x0;
	s14 =	simm.s32 $0x0  }
.LBB2_2:
0xd: {  	s15 =	smul.u32 $0x24000, s14;
	_ =	sdelay $0x1  }
0xe: {  	s15 =	sadd.s32 s4, s15  }
0xf: {  	s16 =	sshrl.u32 s15, $0x3  }
0x10: {  	s17 =	simm.s32 $0x0;
	s16 =	sadd.s32 s3, s16  }
0x11: {  	[tilespmem:s17], [sflag:$0x1] =	stream.linear.gather [hbm4b:s16+s17], $0x4000, $0x38;
	[tilespmem:$0x8080] =	vst v63  }
0x12: {  	_ =	swait.ge [sflag:s8], $0x4000  }
0x13: {  	[sflag:s8] =	ssyncset.done $0x0  }
0x14: {  	s19 =	simm.s32 $0x0;
	s18 =	sadd.s32 $0x800, s16;
	[sflag:s8] =	ssyncadd.s32 $0xFFFFC000  }
0x15: {  	[tilespmem:s9], [sflag:$0x2] =	stream.linear.gather [hbm4b:s18+s17], $0x4000, $0x38;
	[tilespmem:$0x8080] =	vst v63  }
0x16: {  	v6 =	vld [tilespmem:s19+$0x70]  }
0x17: {  	v7 =	vld [tilespmem:s19+$0x0]  }
0x18: {  	v9 =	vld [tilespmem:s19+$0x10]  }
0x19: {  	v18 =	vld [tilespmem:s19+$0x20]  }
0x1a: {  	v16 =	vld [tilespmem:s19+$0x30]  }
0x1b: {  	v8 =	vimm.f32 $-Inf;
	v11 =	vimm.f32 $-Inf;
	v10 =	vld [tilespmem:s19+$0x40]  }
0x1c: {  	v12 =	vimm.f32 $-Inf;
	v13 =	vld [tilespmem:s19+$0x50];
	v6 =	vmax.f32 v8, v6;
	v14 =	vmax.f32 v8, v7  }
0x1d: {  	s17 =	simm.s32 $0x80;
	s18 =	simm.s32 $0x400;
	v17 =	vld [tilespmem:s19+$0x60];
	v15 =	vmax.f32 v8, v9;
	v9 =	vimm.f32 $-Inf;
	v7 =	vimm.f32 $-Inf  }
.LBB2_3:
0x1e: {  	p0 =	sne.s32 s18, $0xFE00;
	v19 =	vld [tilespmem:s17+$0x70];
	v8 =	vmax.f32 v8, v18  }
0x1f: {  	v20 =	vld [tilespmem:s17+$0x0];
	v11 =	vmax.f32 v11, v16  }
0x20: {  	v21 =	vld [tilespmem:s17+$0x10];
	v12 =	vmax.f32 v12, v10  }
.Ltmp0:
0x21: {  	v18 =	vld [tilespmem:s17+$0x20];
	v9 =	vmax.f32 v9, v13;
	(pc) =	sbr.rel @p0 .LBB2_3-.Ltmp0, $4  }
0x22: {  	v16 =	vld [tilespmem:s17+$0x30];
	v7 =	vmax.f32 v7, v17  }
0x23: {  	v10 =	vld [tilespmem:s17+$0x40];
	v6 =	vmax.f32 v6, v19  }
0x24: {  	v14 =	vmax.f32 v14, v20;
	v13 =	vld [tilespmem:s17+$0x50]  }
0x25: {  	v15 =	vmax.f32 v15, v21;
	v17 =	vld [tilespmem:s17+$0x60];
	s17 =	sshra.s32 s18, $0x2;
	s18 =	sadd.s32 $0x200, s18  }
0x26: {  	v19 =	vld [tilespmem:s17+$0x0]  }
0x27: {  	v20 =	vld [tilespmem:s17+$0x10]  }
0x28: {  	v21 =	vld [tilespmem:s17+$0x20]  }
0x29: {  	v22 =	vld [tilespmem:s17+$0x30]  }
0x2a: {  	v23 =	vld [tilespmem:s17+$0x40]  }
0x2b: {  	v24 =	vld [tilespmem:s17+$0x50]  }
0x2c: {  	v8 =	vmax.f32 v8, v18;
	v18 =	vld [tilespmem:s17+$0x60];
	v14 =	vmax.f32 v14, v19;
	v15 =	vmax.f32 v15, v20  }
0x2d: {  	v11 =	vmax.f32 v11, v16;
	v8 =	vmax.f32 v8, v21;
	v14 =	vmax.f32 v14, v15;
	v15 =	vld [tilespmem:s17+$0x70]  }
0x2e: {  	v10 =	vmax.f32 v12, v10;
	v11 =	vmax.f32 v11, v22;
	v8 =	vmax.f32 v14, v8  }
0x2f: {  	v9 =	vmax.f32 v9, v13;
	v10 =	vmax.f32 v10, v23;
	v8 =	vmax.f32 v8, v11  }
0x30: {  	v7 =	vmax.f32 v7, v17;
	v9 =	vmax.f32 v9, v24;
	v8 =	vmax.f32 v8, v10  }
0x31: {  	v7 =	vmax.f32 v7, v18;
	v8 =	vmax.f32 v8, v9  }
0x32: {  	_ =	swait.ge [sflag:s10], $0x4000;
	v6 =	vmax.f32 v6, v15;
	v7 =	vmax.f32 v8, v7  }
0x33: {  	s31 =	sadd.s32 $0x1000, s16;
	[sflag:s10] =	ssyncset.done $0x0;
	v6 =	vmax.f32 v7, v6  }
0x34: {  	s18 =	simm.s32 $0x0;
	s19 =	simm.s32 $0x0;
	[sflag:s10] =	ssyncadd.s32 $0xFFFFC000;
	v7 =	vperm.xlane v6, v0  }
0x35: {  	[tilespmem:s18], [sflag:$0x1] =	stream.linear.gather [hbm4b:s31+s18], $0x4000, $0x38;
	[tilespmem:$0x8080] =	vst v63  }
0x36: {  	v10 =	vld [tilespmem:s19+$0x4000];
	v6 =	vmax.f32 v6, v7  }
0x37: {  	v11 =	vld [tilespmem:s19+$0x4010];
	v7 =	vperm.xlane v6, v1  }
0x38: {  	v8 =	vld [tilespmem:s19+$0x4070]  }
0x39: {  	v19 =	vld [tilespmem:s19+$0x4020];
	v6 =	vmax.f32 v6, v7  }
0x3a: {  	v9 =	vimm.f32 $-Inf;
	v17 =	vld [tilespmem:s19+$0x4030];
	v7 =	vperm.xlane v6, v2  }
0x3b: {  	v13 =	vimm.f32 $-Inf;
	v14 =	vimm.f32 $-Inf;
	v12 =	vld [tilespmem:s19+$0x4040];
	v16 =	vmax.f32 v9, v10  }
0x3c: {  	v15 =	vld [tilespmem:s19+$0x4050];
	v18 =	vmax.f32 v9, v11;
	v11 =	vimm.f32 $-Inf;
	v6 =	vmax.f32 v6, v7  }
0x3d: {  	s17 =	simm.s32 $0x80;
	s18 =	simm.s32 $0x400;
	v20 =	vld [tilespmem:s19+$0x4060];
	v10 =	vimm.f32 $-Inf;
	v8 =	vmax.f32 v9, v8;
	v7 =	vperm.xlane v6, v3  }
.LBB2_5:
0x3e: {  	p0 =	sne.s32 s18, $0xFE00;
	v21 =	vld [tilespmem:s17+$0x4070];
	v9 =	vmax.f32 v9, v19  }
0x3f: {  	v22 =	vld [tilespmem:s17+$0x4000];
	v13 =	vmax.f32 v13, v17  }
0x40: {  	v23 =	vld [tilespmem:s17+$0x4010];
	v14 =	vmax.f32 v14, v12  }
.Ltmp1:
0x41: {  	v19 =	vld [tilespmem:s17+$0x4020];
	v11 =	vmax.f32 v11, v15;
	(pc) =	sbr.rel @p0 .LBB2_5-.Ltmp1, $4  }
0x42: {  	v17 =	vld [tilespmem:s17+$0x4030];
	v10 =	vmax.f32 v10, v20  }
0x43: {  	v12 =	vld [tilespmem:s17+$0x4040];
	v8 =	vmax.f32 v8, v21  }
0x44: {  	v16 =	vmax.f32 v16, v22;
	v15 =	vld [tilespmem:s17+$0x4050]  }
0x45: {  	v18 =	vmax.f32 v18, v23;
	v20 =	vld [tilespmem:s17+$0x4060];
	s17 =	sshra.s32 s18, $0x2;
	s18 =	sadd.s32 $0x200, s18  }
0x46: {  	v21 =	vld [tilespmem:s17+$0x4000]  }
0x47: {  	v22 =	vld [tilespmem:s17+$0x4010]  }
0x48: {  	v23 =	vld [tilespmem:s17+$0x4020]  }
0x49: {  	v24 =	vld [tilespmem:s17+$0x4030]  }
0x4a: {  	v25 =	vld [tilespmem:s17+$0x4040]  }
0x4b: {  	v26 =	vld [tilespmem:s17+$0x4050]  }
0x4c: {  	v9 =	vmax.f32 v9, v19;
	v19 =	vld [tilespmem:s17+$0x4060];
	v16 =	vmax.f32 v16, v21;
	v18 =	vmax.f32 v18, v22  }
0x4d: {  	v13 =	vmax.f32 v13, v17;
	v17 =	vld [tilespmem:s17+$0x4070];
	v9 =	vmax.f32 v9, v23;
	v16 =	vmax.f32 v16, v18  }
0x4e: {  	v12 =	vmax.f32 v14, v12;
	v13 =	vmax.f32 v13, v24;
	v9 =	vmax.f32 v16, v9  }
0x4f: {  	v11 =	vmax.f32 v11, v15;
	v12 =	vmax.f32 v12, v25;
	v9 =	vmax.f32 v9, v13  }
0x50: {  	v10 =	vmax.f32 v10, v20;
	v11 =	vmax.f32 v11, v26;
	v9 =	vmax.f32 v9, v12  }
0x51: {  	v10 =	vmax.f32 v10, v19;
	v9 =	vmax.f32 v9, v11  }
0x52: {  	_ =	swait.ge [sflag:s8], $0x4000;
	v8 =	vmax.f32 v8, v17;
	v9 =	vmax.f32 v9, v10  }
0x53: {  	s31 =	sadd.s32 $0x1800, s16;
	[sflag:s8] =	ssyncset.done $0x0;
	v8 =	vmax.f32 v9, v8  }
0x54: {  	s18 =	simm.s32 $0x0;
	s19 =	simm.s32 $0x0;
	[sflag:s8] =	ssyncadd.s32 $0xFFFFC000;
	v9 =	vperm.xlane v8, v0  }
0x55: {  	[tilespmem:s9], [sflag:$0x2] =	stream.linear.gather [hbm4b:s31+s18], $0x4000, $0x38;
	[tilespmem:$0x8080] =	vst v63  }
0x56: {  	v13 =	vld [tilespmem:s19+$0x10];
	v8 =	vmax.f32 v8, v9  }
0x57: {  	v12 =	vld [tilespmem:s19+$0x0];
	v9 =	vperm.xlane v8, v1  }
0x58: {  	v10 =	vld [tilespmem:s19+$0x70]  }
0x59: {  	v21 =	vld [tilespmem:s19+$0x20];
	v8 =	vmax.f32 v8, v9  }
0x5a: {  	v19 =	vld [tilespmem:s19+$0x30];
	v11 =	vimm.f32 $-Inf;
	v9 =	vperm.xlane v8, v2  }
0x5b: {  	v15 =	vimm.f32 $-Inf;
	v14 =	vld [tilespmem:s19+$0x40];
	v16 =	vimm.f32 $-Inf;
	v20 =	vmax.f32 v11, v13  }
0x5c: {  	v17 =	vld [tilespmem:s19+$0x50];
	v13 =	vimm.f32 $-Inf;
	v18 =	vmax.f32 v11, v12;
	v8 =	vmax.f32 v8, v9  }
0x5d: {  	s17 =	simm.s32 $0x80;
	s18 =	simm.s32 $0x400;
	v22 =	vld [tilespmem:s19+$0x60];
	v12 =	vimm.f32 $-Inf;
	v10 =	vmax.f32 v11, v10;
	v9 =	vperm.xlane v8, v3  }
.LBB2_7:
0x5e: {  	p0 =	sne.s32 s18, $0xFE00;
	v23 =	vld [tilespmem:s17+$0x70];
	v11 =	vmax.f32 v11, v21  }
0x5f: {  	v24 =	vld [tilespmem:s17+$0x0];
	v15 =	vmax.f32 v15, v19  }
0x60: {  	v25 =	vld [tilespmem:s17+$0x10];
	v16 =	vmax.f32 v16, v14  }
.Ltmp2:
0x61: {  	v21 =	vld [tilespmem:s17+$0x20];
	v13 =	vmax.f32 v13, v17;
	(pc) =	sbr.rel @p0 .LBB2_7-.Ltmp2, $4  }
0x62: {  	v19 =	vld [tilespmem:s17+$0x30];
	v12 =	vmax.f32 v12, v22  }
0x63: {  	v14 =	vld [tilespmem:s17+$0x40];
	v10 =	vmax.f32 v10, v23  }
0x64: {  	v18 =	vmax.f32 v18, v24;
	v17 =	vld [tilespmem:s17+$0x50]  }
0x65: {  	v20 =	vmax.f32 v20, v25;
	v22 =	vld [tilespmem:s17+$0x60];
	s17 =	sshra.s32 s18, $0x2;
	s18 =	sadd.s32 $0x200, s18  }
0x66: {  	v23 =	vld [tilespmem:s17+$0x0]  }
0x67: {  	v24 =	vld [tilespmem:s17+$0x10]  }
0x68: {  	v25 =	vld [tilespmem:s17+$0x20]  }
0x69: {  	v26 =	vld [tilespmem:s17+$0x30]  }
0x6a: {  	v27 =	vld [tilespmem:s17+$0x40]  }
0x6b: {  	v28 =	vld [tilespmem:s17+$0x50]  }
0x6c: {  	v11 =	vmax.f32 v11, v21;
	v21 =	vld [tilespmem:s17+$0x60];
	v18 =	vmax.f32 v18, v23;
	v20 =	vmax.f32 v20, v24  }
0x6d: {  	v15 =	vmax.f32 v15, v19;
	v19 =	vld [tilespmem:s17+$0x70];
	v11 =	vmax.f32 v11, v25;
	v18 =	vmax.f32 v18, v20  }
0x6e: {  	v14 =	vmax.f32 v16, v14;
	v15 =	vmax.f32 v15, v26;
	v11 =	vmax.f32 v18, v11  }
0x6f: {  	v13 =	vmax.f32 v13, v17;
	v14 =	vmax.f32 v14, v27;
	v11 =	vmax.f32 v11, v15  }
0x70: {  	v12 =	vmax.f32 v12, v22;
	v13 =	vmax.f32 v13, v28;
	v11 =	vmax.f32 v11, v14  }
0x71: {  	v12 =	vmax.f32 v12, v21;
	v11 =	vmax.f32 v11, v13  }
0x72: {  	_ =	swait.ge [sflag:s10], $0x4000;
	v10 =	vmax.f32 v10, v19;
	v11 =	vmax.f32 v11, v12  }
0x73: {  	s31 =	sadd.s32 $0x2000, s16;
	[sflag:s10] =	ssyncset.done $0x0;
	v10 =	vmax.f32 v11, v10  }
0x74: {  	s18 =	simm.s32 $0x0;
	s19 =	simm.s32 $0x0;
	[sflag:s10] =	ssyncadd.s32 $0xFFFFC000;
	v11 =	vperm.xlane v10, v0  }
0x75: {  	[tilespmem:s18], [sflag:$0x1] =	stream.linear.gather [hbm4b:s31+s18], $0x4000, $0x38;
	[tilespmem:$0x8080] =	vst v63  }
0x76: {  	v15 =	vld [tilespmem:s19+$0x4010];
	v10 =	vmax.f32 v10, v11  }
0x77: {  	v14 =	vld [tilespmem:s19+$0x4000];
	v11 =	vperm.xlane v10, v1  }
0x78: {  	v12 =	vld [tilespmem:s19+$0x4070]  }
0x79: {  	v23 =	vld [tilespmem:s19+$0x4020];
	v10 =	vmax.f32 v10, v11  }
0x7a: {  	v21 =	vld [tilespmem:s19+$0x4030];
	v13 =	vimm.f32 $-Inf;
	v11 =	vperm.xlane v10, v2  }
0x7b: {  	v17 =	vimm.f32 $-Inf;
	v16 =	vld [tilespmem:s19+$0x4040];
	v18 =	vimm.f32 $-Inf;
	v22 =	vmax.f32 v13, v15  }
0x7c: {  	v19 =	vld [tilespmem:s19+$0x4050];
	v15 =	vimm.f32 $-Inf;
	v20 =	vmax.f32 v13, v14;
	v10 =	vmax.f32 v10, v11  }
0x7d: {  	s17 =	simm.s32 $0x80;
	s18 =	simm.s32 $0x400;
	v24 =	vld [tilespmem:s19+$0x4060];
	v14 =	vimm.f32 $-Inf;
	v12 =	vmax.f32 v13, v12;
	v11 =	vperm.xlane v10, v3  }
.LBB2_9:
0x7e: {  	p0 =	sne.s32 s18, $0xFE00;
	v25 =	vld [tilespmem:s17+$0x4070];
	v13 =	vmax.f32 v13, v23  }
0x7f: {  	v26 =	vld [tilespmem:s17+$0x4000];
	v17 =	vmax.f32 v17, v21  }
0x80: {  	v27 =	vld [tilespmem:s17+$0x4010];
	v18 =	vmax.f32 v18, v16  }
.Ltmp3:
0x81: {  	v23 =	vld [tilespmem:s17+$0x4020];
	v15 =	vmax.f32 v15, v19;
	(pc) =	sbr.rel @p0 .LBB2_9-.Ltmp3, $4  }
0x82: {  	v21 =	vld [tilespmem:s17+$0x4030];
	v14 =	vmax.f32 v14, v24  }
0x83: {  	v16 =	vld [tilespmem:s17+$0x4040];
	v12 =	vmax.f32 v12, v25  }
0x84: {  	v20 =	vmax.f32 v20, v26;
	v19 =	vld [tilespmem:s17+$0x4050]  }
0x85: {  	v22 =	vmax.f32 v22, v27;
	v24 =	vld [tilespmem:s17+$0x4060];
	s17 =	sshra.s32 s18, $0x2;
	s18 =	sadd.s32 $0x200, s18  }
0x86: {  	v25 =	vld [tilespmem:s17+$0x4000]  }
0x87: {  	v26 =	vld [tilespmem:s17+$0x4010]  }
0x88: {  	v27 =	vld [tilespmem:s17+$0x4020]  }
0x89: {  	v28 =	vld [tilespmem:s17+$0x4030]  }
0x8a: {  	v29 =	vld [tilespmem:s17+$0x4040]  }
0x8b: {  	v30 =	vld [tilespmem:s17+$0x4050]  }
0x8c: {  	v13 =	vmax.f32 v13, v23;
	v23 =	vld [tilespmem:s17+$0x4060];
	v20 =	vmax.f32 v20, v25;
	v22 =	vmax.f32 v22, v26  }
0x8d: {  	v17 =	vmax.f32 v17, v21;
	v21 =	vld [tilespmem:s17+$0x4070];
	v13 =	vmax.f32 v13, v27;
	v20 =	vmax.f32 v20, v22  }
0x8e: {  	v16 =	vmax.f32 v18, v16;
	v17 =	vmax.f32 v17, v28;
	v13 =	vmax.f32 v20, v13  }
0x8f: {  	v15 =	vmax.f32 v15, v19;
	v16 =	vmax.f32 v16, v29;
	v13 =	vmax.f32 v13, v17  }
0x90: {  	v14 =	vmax.f32 v14, v24;
	v15 =	vmax.f32 v15, v30;
	v13 =	vmax.f32 v13, v16  }
0x91: {  	v14 =	vmax.f32 v14, v23;
	v13 =	vmax.f32 v13, v15  }
0x92: {  	_ =	swait.ge [sflag:s8], $0x4000;
	v12 =	vmax.f32 v12, v21;
	v13 =	vmax.f32 v13, v14  }
0x93: {  	s31 =	sadd.s32 $0x2800, s16;
	[sflag:s8] =	ssyncset.done $0x0;
	v12 =	vmax.f32 v13, v12  }
0x94: {  	s18 =	simm.s32 $0x0;
	s19 =	simm.s32 $0x0;
	[sflag:s8] =	ssyncadd.s32 $0xFFFFC000;
	v13 =	vperm.xlane v12, v0  }
0x95: {  	[tilespmem:s9], [sflag:$0x2] =	stream.linear.gather [hbm4b:s31+s18], $0x4000, $0x38;
	[tilespmem:$0x8080] =	vst v63  }
0x96: {  	v17 =	vld [tilespmem:s19+$0x10];
	v12 =	vmax.f32 v12, v13  }
0x97: {  	v16 =	vld [tilespmem:s19+$0x0];
	v13 =	vperm.xlane v12, v1  }
0x98: {  	v14 =	vld [tilespmem:s19+$0x70]  }
0x99: {  	v25 =	vld [tilespmem:s19+$0x20];
	v12 =	vmax.f32 v12, v13  }
0x9a: {  	v23 =	vld [tilespmem:s19+$0x30];
	v15 =	vimm.f32 $-Inf;
	v13 =	vperm.xlane v12, v2  }
0x9b: {  	v19 =	vimm.f32 $-Inf;
	v18 =	vld [tilespmem:s19+$0x40];
	v20 =	vimm.f32 $-Inf;
	v24 =	vmax.f32 v15, v17  }
0x9c: {  	v21 =	vld [tilespmem:s19+$0x50];
	v17 =	vimm.f32 $-Inf;
	v22 =	vmax.f32 v15, v16;
	v12 =	vmax.f32 v12, v13  }
0x9d: {  	s17 =	simm.s32 $0x80;
	s18 =	simm.s32 $0x400;
	v26 =	vld [tilespmem:s19+$0x60];
	v16 =	vimm.f32 $-Inf;
	v14 =	vmax.f32 v15, v14;
	v13 =	vperm.xlane v12, v3  }
.LBB2_11:
0x9e: {  	p0 =	sne.s32 s18, $0xFE00;
	v27 =	vld [tilespmem:s17+$0x70];
	v15 =	vmax.f32 v15, v25  }
0x9f: {  	v28 =	vld [tilespmem:s17+$0x0];
	v19 =	vmax.f32 v19, v23  }
0xa0: {  	v29 =	vld [tilespmem:s17+$0x10];
	v20 =	vmax.f32 v20, v18  }
.Ltmp4:
0xa1: {  	v25 =	vld [tilespmem:s17+$0x20];
	v17 =	vmax.f32 v17, v21;
	(pc) =	sbr.rel @p0 .LBB2_11-.Ltmp4, $4  }
0xa2: {  	v23 =	vld [tilespmem:s17+$0x30];
	v16 =	vmax.f32 v16, v26  }
0xa3: {  	v18 =	vld [tilespmem:s17+$0x40];
	v14 =	vmax.f32 v14, v27  }
0xa4: {  	v22 =	vmax.f32 v22, v28;
	v21 =	vld [tilespmem:s17+$0x50]  }
0xa5: {  	v24 =	vmax.f32 v24, v29;
	v26 =	vld [tilespmem:s17+$0x60];
	s17 =	sshra.s32 s18, $0x2;
	s18 =	sadd.s32 $0x200, s18  }
0xa6: {  	v27 =	vld [tilespmem:s17+$0x0]  }
0xa7: {  	v28 =	vld [tilespmem:s17+$0x10]  }
0xa8: {  	v29 =	vld [tilespmem:s17+$0x20]  }
0xa9: {  	v30 =	vld [tilespmem:s17+$0x30]  }
0xaa: {  	v31 =	vld [tilespmem:s17+$0x40]  }
0xab: {  	v32 =	vld [tilespmem:s17+$0x50]  }
0xac: {  	v15 =	vmax.f32 v15, v25;
	v25 =	vld [tilespmem:s17+$0x60];
	v22 =	vmax.f32 v22, v27;
	v24 =	vmax.f32 v24, v28  }
0xad: {  	v19 =	vmax.f32 v19, v23;
	v23 =	vld [tilespmem:s17+$0x70];
	v15 =	vmax.f32 v15, v29;
	v22 =	vmax.f32 v22, v24  }
0xae: {  	v18 =	vmax.f32 v20, v18;
	v19 =	vmax.f32 v19, v30;
	v15 =	vmax.f32 v22, v15  }
0xaf: {  	v17 =	vmax.f32 v17, v21;
	v18 =	vmax.f32 v18, v31;
	v15 =	vmax.f32 v15, v19  }
0xb0: {  	v16 =	vmax.f32 v16, v26;
	v17 =	vmax.f32 v17, v32;
	v15 =	vmax.f32 v15, v18  }
0xb1: {  	v16 =	vmax.f32 v16, v25;
	v15 =	vmax.f32 v15, v17  }
0xb2: {  	_ =	swait.ge [sflag:s10], $0x4000;
	v14 =	vmax.f32 v14, v23;
	v15 =	vmax.f32 v15, v16  }
0xb3: {  	s31 =	sadd.s32 $0x3000, s16;
	[sflag:s10] =	ssyncset.done $0x0;
	v14 =	vmax.f32 v15, v14  }
0xb4: {  	s18 =	simm.s32 $0x0;
	s19 =	simm.s32 $0x0;
	[sflag:s10] =	ssyncadd.s32 $0xFFFFC000;
	v15 =	vperm.xlane v14, v0  }
0xb5: {  	[tilespmem:s18], [sflag:$0x1] =	stream.linear.gather [hbm4b:s31+s18], $0x4000, $0x38;
	[tilespmem:$0x8080] =	vst v63  }
0xb6: {  	v19 =	vld [tilespmem:s19+$0x4010];
	v14 =	vmax.f32 v14, v15  }
0xb7: {  	v18 =	vld [tilespmem:s19+$0x4000];
	v15 =	vperm.xlane v14, v1  }
0xb8: {  	v16 =	vld [tilespmem:s19+$0x4070]  }
0xb9: {  	v27 =	vld [tilespmem:s19+$0x4020];
	v14 =	vmax.f32 v14, v15  }
0xba: {  	v25 =	vld [tilespmem:s19+$0x4030];
	v17 =	vimm.f32 $-Inf;
	v15 =	vperm.xlane v14, v2  }
0xbb: {  	v21 =	vimm.f32 $-Inf;
	v20 =	vld [tilespmem:s19+$0x4040];
	v22 =	vimm.f32 $-Inf;
	v26 =	vmax.f32 v17, v19  }
0xbc: {  	v23 =	vld [tilespmem:s19+$0x4050];
	v19 =	vimm.f32 $-Inf;
	v24 =	vmax.f32 v17, v18;
	v14 =	vmax.f32 v14, v15  }
0xbd: {  	s17 =	simm.s32 $0x80;
	s18 =	simm.s32 $0x400;
	v28 =	vld [tilespmem:s19+$0x4060];
	v18 =	vimm.f32 $-Inf;
	v16 =	vmax.f32 v17, v16;
	v15 =	vperm.xlane v14, v3  }
.LBB2_13:
0xbe: {  	p0 =	sne.s32 s18, $0xFE00;
	v29 =	vld [tilespmem:s17+$0x4070];
	v17 =	vmax.f32 v17, v27  }
0xbf: {  	v30 =	vld [tilespmem:s17+$0x4000];
	v21 =	vmax.f32 v21, v25  }
0xc0: {  	v31 =	vld [tilespmem:s17+$0x4010];
	v22 =	vmax.f32 v22, v20  }
.Ltmp5:
0xc1: {  	v27 =	vld [tilespmem:s17+$0x4020];
	v19 =	vmax.f32 v19, v23;
	(pc) =	sbr.rel @p0 .LBB2_13-.Ltmp5, $4  }
0xc2: {  	v25 =	vld [tilespmem:s17+$0x4030];
	v18 =	vmax.f32 v18, v28  }
0xc3: {  	v20 =	vld [tilespmem:s17+$0x4040];
	v16 =	vmax.f32 v16, v29  }
0xc4: {  	v24 =	vmax.f32 v24, v30;
	v23 =	vld [tilespmem:s17+$0x4050]  }
0xc5: {  	v26 =	vmax.f32 v26, v31;
	v28 =	vld [tilespmem:s17+$0x4060];
	s17 =	sshra.s32 s18, $0x2;
	s18 =	sadd.s32 $0x200, s18  }
0xc6: {  	v29 =	vld [tilespmem:s17+$0x4000]  }
0xc7: {  	v30 =	vld [tilespmem:s17+$0x4010]  }
0xc8: {  	v31 =	vld [tilespmem:s17+$0x4020]  }
0xc9: {  	v32 =	vld [tilespmem:s17+$0x4030]  }
0xca: {  	v33 =	vld [tilespmem:s17+$0x4040]  }
0xcb: {  	v34 =	vld [tilespmem:s17+$0x4050]  }
0xcc: {  	v17 =	vmax.f32 v17, v27;
	v27 =	vld [tilespmem:s17+$0x4060];
	v24 =	vmax.f32 v24, v29;
	v26 =	vmax.f32 v26, v30  }
0xcd: {  	v21 =	vmax.f32 v21, v25;
	v25 =	vld [tilespmem:s17+$0x4070];
	v17 =	vmax.f32 v17, v31;
	v24 =	vmax.f32 v24, v26  }
0xce: {  	v20 =	vmax.f32 v22, v20;
	v21 =	vmax.f32 v21, v32;
	v17 =	vmax.f32 v24, v17  }
0xcf: {  	v19 =	vmax.f32 v19, v23;
	v20 =	vmax.f32 v20, v33;
	v17 =	vmax.f32 v17, v21  }
0xd0: {  	v18 =	vmax.f32 v18, v28;
	v19 =	vmax.f32 v19, v34;
	v17 =	vmax.f32 v17, v20  }
0xd1: {  	v18 =	vmax.f32 v18, v27;
	v17 =	vmax.f32 v17, v19  }
0xd2: {  	_ =	swait.ge [sflag:s8], $0x4000;
	v16 =	vmax.f32 v16, v25;
	v17 =	vmax.f32 v17, v18  }
0xd3: {  	s31 =	sadd.s32 $0x3800, s16;
	[sflag:s8] =	ssyncset.done $0x0;
	v16 =	vmax.f32 v17, v16  }
0xd4: {  	s18 =	simm.s32 $0x0;
	s19 =	simm.s32 $0x0;
	[sflag:s8] =	ssyncadd.s32 $0xFFFFC000;
	v17 =	vperm.xlane v16, v0  }
0xd5: {  	[tilespmem:s9], [sflag:$0x2] =	stream.linear.gather [hbm4b:s31+s18], $0x4000, $0x38;
	[tilespmem:$0x8080] =	vst v63  }
0xd6: {  	v21 =	vld [tilespmem:s19+$0x10];
	v16 =	vmax.f32 v16, v17  }
0xd7: {  	v20 =	vld [tilespmem:s19+$0x0];
	v17 =	vperm.xlane v16, v1  }
0xd8: {  	v18 =	vld [tilespmem:s19+$0x70]  }
0xd9: {  	v29 =	vld [tilespmem:s19+$0x20];
	v16 =	vmax.f32 v16, v17  }
0xda: {  	v27 =	vld [tilespmem:s19+$0x30];
	v19 =	vimm.f32 $-Inf;
	v17 =	vperm.xlane v16, v2  }
0xdb: {  	v23 =	vimm.f32 $-Inf;
	v22 =	vld [tilespmem:s19+$0x40];
	v24 =	vimm.f32 $-Inf;
	v28 =	vmax.f32 v19, v21  }
0xdc: {  	v25 =	vld [tilespmem:s19+$0x50];
	v21 =	vimm.f32 $-Inf;
	v26 =	vmax.f32 v19, v20;
	v16 =	vmax.f32 v16, v17  }
0xdd: {  	s17 =	simm.s32 $0x80;
	s18 =	simm.s32 $0x400;
	v30 =	vld [tilespmem:s19+$0x60];
	v20 =	vimm.f32 $-Inf;
	v18 =	vmax.f32 v19, v18;
	v17 =	vperm.xlane v16, v3  }
.LBB2_15:
0xde: {  	p0 =	sne.s32 s18, $0xFE00;
	v31 =	vld [tilespmem:s17+$0x70];
	v19 =	vmax.f32 v19, v29  }
0xdf: {  	v32 =	vld [tilespmem:s17+$0x0];
	v23 =	vmax.f32 v23, v27  }
0xe0: {  	v33 =	vld [tilespmem:s17+$0x10];
	v24 =	vmax.f32 v24, v22  }
.Ltmp6:
0xe1: {  	v29 =	vld [tilespmem:s17+$0x20];
	v21 =	vmax.f32 v21, v25;
	(pc) =	sbr.rel @p0 .LBB2_15-.Ltmp6, $4  }
0xe2: {  	v27 =	vld [tilespmem:s17+$0x30];
	v20 =	vmax.f32 v20, v30  }
0xe3: {  	v22 =	vld [tilespmem:s17+$0x40];
	v18 =	vmax.f32 v18, v31  }
0xe4: {  	v26 =	vmax.f32 v26, v32;
	v25 =	vld [tilespmem:s17+$0x50]  }
0xe5: {  	v28 =	vmax.f32 v28, v33;
	v30 =	vld [tilespmem:s17+$0x60];
	s17 =	sshra.s32 s18, $0x2;
	s18 =	sadd.s32 $0x200, s18  }
0xe6: {  	v31 =	vld [tilespmem:s17+$0x0]  }
0xe7: {  	v32 =	vld [tilespmem:s17+$0x10]  }
0xe8: {  	v33 =	vld [tilespmem:s17+$0x20]  }
0xe9: {  	v34 =	vld [tilespmem:s17+$0x30]  }
0xea: {  	v35 =	vld [tilespmem:s17+$0x40]  }
0xeb: {  	v36 =	vld [tilespmem:s17+$0x50]  }
0xec: {  	v19 =	vmax.f32 v19, v29;
	v29 =	vld [tilespmem:s17+$0x60];
	v26 =	vmax.f32 v26, v31;
	v28 =	vmax.f32 v28, v32  }
0xed: {  	v23 =	vmax.f32 v23, v27;
	v27 =	vld [tilespmem:s17+$0x70];
	v19 =	vmax.f32 v19, v33;
	v26 =	vmax.f32 v26, v28  }
0xee: {  	v22 =	vmax.f32 v24, v22;
	v23 =	vmax.f32 v23, v34;
	v19 =	vmax.f32 v26, v19  }
0xef: {  	v21 =	vmax.f32 v21, v25;
	v22 =	vmax.f32 v22, v35;
	v19 =	vmax.f32 v19, v23  }
0xf0: {  	v20 =	vmax.f32 v20, v30;
	v21 =	vmax.f32 v21, v36;
	v19 =	vmax.f32 v19, v22  }
0xf1: {  	v20 =	vmax.f32 v20, v29;
	v19 =	vmax.f32 v19, v21  }
0xf2: {  	_ =	swait.ge [sflag:s10], $0x4000;
	v18 =	vmax.f32 v18, v27;
	v19 =	vmax.f32 v19, v20  }
0xf3: {  	s16 =	sadd.s32 $0x4000, s16;
	[sflag:s10] =	ssyncset.done $0x0;
	v18 =	vmax.f32 v19, v18  }
0xf4: {  	s31 =	simm.s32 $0x0;
	s18 =	simm.s32 $0x0;
	[sflag:s10] =	ssyncadd.s32 $0xFFFFC000;
	v19 =	vperm.xlane v18, v0  }
0xf5: {  	[tilespmem:s31], [sflag:$0x1] =	stream.linear.gather [hbm4b:s16+s31], $0x4000, $0x38;
	[tilespmem:$0x8080] =	vst v63  }
0xf6: {  	v23 =	vld [tilespmem:s18+$0x4010];
	v18 =	vmax.f32 v18, v19  }
0xf7: {  	v22 =	vld [tilespmem:s18+$0x4000];
	v19 =	vperm.xlane v18, v1  }
0xf8: {  	v20 =	vld [tilespmem:s18+$0x4070]  }
0xf9: {  	v31 =	vld [tilespmem:s18+$0x4020];
	v18 =	vmax.f32 v18, v19  }
0xfa: {  	v29 =	vld [tilespmem:s18+$0x4030];
	v21 =	vimm.f32 $-Inf;
	v19 =	vperm.xlane v18, v2  }
0xfb: {  	v25 =	vimm.f32 $-Inf;
	v24 =	vld [tilespmem:s18+$0x4040];
	v26 =	vimm.f32 $-Inf;
	v30 =	vmax.f32 v21, v23  }
0xfc: {  	v27 =	vld [tilespmem:s18+$0x4050];
	v23 =	vimm.f32 $-Inf;
	v28 =	vmax.f32 v21, v22;
	v18 =	vmax.f32 v18, v19  }
0xfd: {  	s17 =	simm.s32 $0x400;
	s16 =	simm.s32 $0x80;
	v32 =	vld [tilespmem:s18+$0x4060];
	v22 =	vimm.f32 $-Inf;
	v20 =	vmax.f32 v21, v20;
	v19 =	vperm.xlane v18, v3  }
.LBB2_17:
0xfe: {  	p0 =	sne.s32 s17, $0xFE00;
	v33 =	vld [tilespmem:s16+$0x4070];
	v21 =	vmax.f32 v21, v31  }
0xff: {  	v34 =	vld [tilespmem:s16+$0x4000];
	v25 =	vmax.f32 v25, v29  }
0x100: {  	v35 =	vld [tilespmem:s16+$0x4010];
	v26 =	vmax.f32 v26, v24  }
.Ltmp7:
0x101: {  	v31 =	vld [tilespmem:s16+$0x4020];
	v23 =	vmax.f32 v23, v27;
	(pc) =	sbr.rel @p0 .LBB2_17-.Ltmp7, $4  }
0x102: {  	v29 =	vld [tilespmem:s16+$0x4030];
	v22 =	vmax.f32 v22, v32  }
0x103: {  	v24 =	vld [tilespmem:s16+$0x4040];
	v20 =	vmax.f32 v20, v33  }
0x104: {  	v28 =	vmax.f32 v28, v34;
	v27 =	vld [tilespmem:s16+$0x4050]  }
0x105: {  	v30 =	vmax.f32 v30, v35;
	v32 =	vld [tilespmem:s16+$0x4060];
	s16 =	sshra.s32 s17, $0x2;
	s17 =	sadd.s32 $0x200, s17  }
0x106: {  	v33 =	vld [tilespmem:s16+$0x4000]  }
0x107: {  	v34 =	vld [tilespmem:s16+$0x4010]  }
0x108: {  	v35 =	vld [tilespmem:s16+$0x4020]  }
0x109: {  	v36 =	vld [tilespmem:s16+$0x4030]  }
0x10a: {  	v37 =	vld [tilespmem:s16+$0x4040]  }
0x10b: {  	v38 =	vld [tilespmem:s16+$0x4050]  }
0x10c: {  	v21 =	vmax.f32 v21, v31;
	v31 =	vld [tilespmem:s16+$0x4060];
	v28 =	vmax.f32 v28, v33;
	v30 =	vmax.f32 v30, v34  }
0x10d: {  	v25 =	vmax.f32 v25, v29;
	v29 =	vld [tilespmem:s16+$0x4070];
	v21 =	vmax.f32 v21, v35;
	v28 =	vmax.f32 v28, v30  }
0x10e: {  	v24 =	vmax.f32 v26, v24;
	v25 =	vmax.f32 v25, v36;
	v21 =	vmax.f32 v28, v21  }
0x10f: {  	v23 =	vmax.f32 v23, v27;
	v24 =	vmax.f32 v24, v37;
	v21 =	vmax.f32 v21, v25  }
0x110: {  	v22 =	vmax.f32 v22, v32;
	v23 =	vmax.f32 v23, v38;
	v21 =	vmax.f32 v21, v24  }
0x111: {  	v22 =	vmax.f32 v22, v31;
	v21 =	vmax.f32 v21, v23  }
0x112: {  	v20 =	vmax.f32 v20, v29;
	v21 =	vmax.f32 v21, v22  }
0x113: {  	_ =	swait.ge [sflag:s8], $0x4000;
	v20 =	vmax.f32 v21, v20  }
0x114: {  	[sflag:s8] =	ssyncset.done $0x0;
	v21 =	vperm.xlane v20, v0  }
0x115: {  	s18 =	simm.s32 $0x0;
	[sflag:s8] =	ssyncadd.s32 $0xFFFFC000  }
0x116: {  	v25 =	vld [tilespmem:s18+$0x10];
	v20 =	vmax.f32 v20, v21  }
0x117: {  	v24 =	vld [tilespmem:s18+$0x0];
	v21 =	vperm.xlane v20, v1  }
0x118: {  	v22 =	vld [tilespmem:s18+$0x70]  }
0x119: {  	v33 =	vld [tilespmem:s18+$0x20];
	v20 =	vmax.f32 v20, v21  }
0x11a: {  	v31 =	vld [tilespmem:s18+$0x30];
	v23 =	vimm.f32 $-Inf;
	v21 =	vperm.xlane v20, v2  }
0x11b: {  	v27 =	vimm.f32 $-Inf;
	v26 =	vld [tilespmem:s18+$0x40];
	v28 =	vimm.f32 $-Inf;
	v32 =	vmax.f32 v23, v25  }
0x11c: {  	v29 =	vld [tilespmem:s18+$0x50];
	v25 =	vimm.f32 $-Inf;
	v30 =	vmax.f32 v23, v24;
	v20 =	vmax.f32 v20, v21  }
0x11d: {  	s17 =	simm.s32 $0x400;
	s16 =	simm.s32 $0x80;
	v34 =	vld [tilespmem:s18+$0x60];
	v24 =	vimm.f32 $-Inf;
	v22 =	vmax.f32 v23, v22;
	v21 =	vperm.xlane v20, v3  }
.LBB2_19:
0x11e: {  	p0 =	sne.s32 s17, $0xFE00;
	v35 =	vld [tilespmem:s16+$0x70];
	v23 =	vmax.f32 v23, v33  }
0x11f: {  	v36 =	vld [tilespmem:s16+$0x0];
	v27 =	vmax.f32 v27, v31  }
0x120: {  	v37 =	vld [tilespmem:s16+$0x10];
	v28 =	vmax.f32 v28, v26  }
.Ltmp8:
0x121: {  	v33 =	vld [tilespmem:s16+$0x20];
	v25 =	vmax.f32 v25, v29;
	(pc) =	sbr.rel @p0 .LBB2_19-.Ltmp8, $4  }
0x122: {  	v31 =	vld [tilespmem:s16+$0x30];
	v24 =	vmax.f32 v24, v34  }
0x123: {  	v26 =	vld [tilespmem:s16+$0x40];
	v22 =	vmax.f32 v22, v35  }
0x124: {  	v30 =	vmax.f32 v30, v36;
	v29 =	vld [tilespmem:s16+$0x50]  }
0x125: {  	v32 =	vmax.f32 v32, v37;
	v34 =	vld [tilespmem:s16+$0x60];
	s16 =	sshra.s32 s17, $0x2;
	s17 =	sadd.s32 $0x200, s17  }
0x126: {  	v35 =	vld [tilespmem:s16+$0x0]  }
0x127: {  	v36 =	vld [tilespmem:s16+$0x10]  }
0x128: {  	v37 =	vld [tilespmem:s16+$0x20]  }
0x129: {  	v38 =	vld [tilespmem:s16+$0x30]  }
0x12a: {  	v39 =	vld [tilespmem:s16+$0x40]  }
0x12b: {  	v40 =	vld [tilespmem:s16+$0x50]  }
0x12c: {  	v23 =	vmax.f32 v23, v33;
	v61 =	vld [tilespmem:s16+$0x60];
	v30 =	vmax.f32 v30, v35;
	v32 =	vmax.f32 v32, v36  }
0x12d: {  	v62 =	vld [tilespmem:s16+$0x70];
	v27 =	vmax.f32 v27, v31;
	v23 =	vmax.f32 v23, v37;
	v30 =	vmax.f32 v30, v32  }
0x12e: {  	v26 =	vmax.f32 v28, v26;
	v27 =	vmax.f32 v27, v38;
	v23 =	vmax.f32 v30, v23  }
0x12f: {  	v25 =	vmax.f32 v25, v29;
	v26 =	vmax.f32 v26, v39;
	v23 =	vmax.f32 v23, v27  }
0x130: {  	v24 =	vmax.f32 v24, v34;
	v25 =	vmax.f32 v25, v40;
	v23 =	vmax.f32 v23, v26  }
0x131: {  	v24 =	vmax.f32 v24, v61;
	v23 =	vmax.f32 v23, v25  }
0x132: {  	v22 =	vmax.f32 v22, v62;
	v23 =	vmax.f32 v23, v24  }
0x133: {  	v22 =	vmax.f32 v23, v22  }
0x134: {  	v23 =	vperm.xlane v22, v0;
	_ =	sdelay $0x1  }
0x135: {  	v22 =	vmax.f32 v22, v23  }
0x136: {  	v6 =	vmax.f32 v6, v7;
	v7 =	vperm.xlane v22, v1  }
0x137: {  	(v2sf) =	vpush v6, $0x0;
	v6 =	vmax.f32 v8, v9  }
0x138: {  	(v2sf) =	vpush v6, $0x0;
	v6 =	vmax.f32 v10, v11;
	v7 =	vmax.f32 v22, v7  }
0x139: {  	(v2sf) =	vpush v6, $0x0;
	v6 =	vmax.f32 v12, v13;
	v8 =	vperm.xlane v7, v2  }
0x13a: {  	(v2sf) =	vpush v6, $0x0;
	v6 =	vmax.f32 v14, v15  }
0x13b: {  	(v2sf) =	vpush v6, $0x0;
	v6 =	vmax.f32 v16, v17;
	v7 =	vmax.f32 v7, v8  }
0x13c: {  	(v2sf) =	vpush v6, $0x0;
	v6 =	vmax.f32 v18, v19;
	v8 =	vperm.xlane v7, v3  }
0x13d: {  	(v2sf) =	vpush v6, $0x0;
	v6 =	vmax.f32 v20, v21  }
0x13e: {  	(v2sf) =	vpush v6, $0x0;
	v6 =	vmax.f32 v7, v8  }
0x13f: {  	(v2sf) =	vpush v6, $0x0;
	_ =	sdelay $0x6  }
0x140: {  	s17 =	spop (v2sf)  }
0x141: {  	s18 =	spop (v2sf)  }
0x142: {  	s19 =	spop (v2sf);
	s28 =	smax.f32 s17, s18  }
0x143: {  	s20 =	spop (v2sf);
	s16 =	smax.f32 s28, s19  }
0x144: {  	s21 =	spop (v2sf);
	s16 =	smax.f32 s16, s20  }
0x145: {  	s22 =	spop (v2sf);
	s16 =	smax.f32 s16, s21  }
0x146: {  	s23 =	spop (v2sf);
	s16 =	smax.f32 s16, s22  }
0x147: {  	s24 =	spop (v2sf);
	s16 =	smax.f32 s16, s23  }
0x148: {  	s16 =	smax.f32 s16, s24;
	s25 =	spop (v2sf)  }
0x149: {  	s25 =	smax.f32 s16, s25  }
0x14a: {  	p0 =	seq.f32 s24, s25  }
0x14b: {  	s16 =	simm.s32 $0x1C000;
	p1 =	seq.f32 s23, s25  }
0x14c: {  	s16 =	simm.s32 @!p0 $0x20000;
	p0 =	seq.f32 s22, s25  }
0x14d: {  	s16 =	simm.s32 @p1 $0x18000;
	p1 =	seq.f32 s21, s25  }
0x14e: {  	s16 =	simm.s32 @p0 $0x14000;
	p0 =	seq.f32 s20, s25  }
0x14f: {  	s16 =	simm.s32 @p1 $0x10000;
	p1 =	seq.f32 s19, s25  }
0x150: {  	s16 =	simm.s32 @p0 $0xC000;
	p0 =	seq.f32 s18, s25  }
0x151: {  	s29 =	sld [smem:$0x7FF];
	s16 =	simm.s32 @p1 $0x8000;
	p1 =	seq.f32 s17, s25  }
0x152: {  	s16 =	simm.s32 @p0 $0x4000  }
0x153: {  	s16 =	simm.s32 @p1 $0x0  }
0x154: {  	p0 =	seq.s32 s29, $0x1;
	s18 =	sand.u32 $0x7, s16  }
0x155: {  	p1 =	sne.s32 @!p0 s18, $0x0  }
0x156: {  	p0 =	por !p1, p0  }
0x157: {  	s17 =	sor.u32 @!p0 $0x100000, s5  }
0x158: {  	[smem:s17], [sflag:$0x0] =	smem.add.s32 @!p0 $0x29A;
	s17 =	simm.s32 @!p0 $0x0  }
0x159: {  	s18 =	simm.s32 @!p0 $0x1;
	_ =	swait.done @!p0 [sflag:s17]  }
0x15a: {  	s15 =	sadd.s32 s15, s16;
	[smem:$0x7FF] =	sst @!p0 s18  }
0x15b: {  	s15 =	sshrl.u32 s15, $0x3;
	_ =	sint @!p0 $0x2  }
0x15c: {  	s15 =	sadd.s32 s3, s15;
	_ =	swait.notdone @!p0 [sflag:s17];
	s17 =	simm.s32 $0x0  }
0x15d: {  	[tilespmem:s17], [sflag:$0x3] =	stream.linear.gather [hbm4b:s15+s17], $0x4000, $0x38;
	[tilespmem:$0x8080] =	vst v63  }
0x15e: {  	_ =	swait.ge [sflag:s11], $0x4000  }
0x15f: {  	[sflag:s11] =	ssyncset.done $0x0  }
0x160: {  	s30 =	simm.s32 $0x20;
	[sflag:s11] =	ssyncadd.s32 $0xFFFFC000  }
0x161: {  	v7 =	vld [tilespmem:s30+$0xFFFFFFE0];
	_ =	sdelay $0x1  }
0x162: {  	v8 =	vld [tilespmem:s30+$0xFFFFFFF0];
	_ =	sdelay $0x1  }
0x163: {  	v6 =	vmov s25;
	v9 =	vld [tilespmem:s30+$0x0]  }
0x164: {  	vm0 =	veq.f32 v7, v6;
	v7 =	vor.u32 s17, v4  }
0x165: {  	s31 =	simm.s32 $0x10;
	v10 =	vimm.s32 $0x40000000;
	v11 =	vnsel vm0, $0x40000000, v7;
	v7 =	vld [tilespmem:s30+$0x10]  }
0x166: {  	v63 =	vor.u32 s31, v4;
	s18 =	simm.s32 $0x60;
	vm1 =	veq.f32 v8, v6;
	vm0 =	vlt.s32 v10, v11  }
0x167: {  	s20 =	simm.s32 $0x20;
	s19 =	simm.s32 $0x80;
	s15 =	simm.s32 $0x40;
	v8 =	vld [tilespmem:s18+$0xFFFFFFE0];
	v10 =	vsel vm0, v10, v11;
	v11 =	vnsel vm1, $0x40000000, v63  }
.LBB2_21:
0x168: {  	p0 =	sne.s32 s19, $0x3FC0;
	vm0 =	vlt.s32 v10, v11;
	vm1 =	veq.f32 v9, v6;
	v9 =	vor.u32 s20, v4  }
0x169: {  	s20 =	sadd.s32 $0x30, s17;
	s17 =	smov.u32 s15;
	s15 =	smov.u32 s19;
	v12 =	vld [tilespmem:s18+$0xFFFFFFF0];
	v10 =	vsel vm0, v10, v11;
	v11 =	vnsel vm1, $0x40000000, v9  }
0x16a: {  	vm0 =	vlt.s32 v10, v11;
	vm1 =	veq.f32 v7, v6;
	v7 =	vor.u32 s20, v4  }
.Ltmp9:
0x16b: {  	v9 =	vld [tilespmem:s18+$0x0];
	v10 =	vsel vm0, v10, v11;
	v11 =	vnsel vm1, $0x40000000, v7;
	(pc) =	sbr.rel @p0 .LBB2_21-.Ltmp9, $4  }
0x16c: {  	v7 =	vor.u32 s17, v4;
	vm0 =	veq.f32 v8, v6;
	vm1 =	vlt.s32 v10, v11  }
0x16d: {  	s20 =	sadd.s32 $0x10, s17;
	v13 =	vnsel vm0, $0x40000000, v7;
	v7 =	vld [tilespmem:s18+$0x10];
	v10 =	vsel vm1, v10, v11  }
0x16e: {  	v11 =	vor.u32 s20, v4;
	s18 =	sadd.s32 $0x40, s18;
	vm0 =	vlt.s32 v10, v13;
	vm1 =	veq.f32 v12, v6  }
0x16f: {  	s19 =	sadd.s32 $0x40, s19;
	s20 =	sadd.s32 $0x20, s17;
	v8 =	vld [tilespmem:s18+$0xFFFFFFE0];
	v10 =	vsel vm0, v10, v13;
	v11 =	vnsel vm1, $0x40000000, v11  }
0x170: {  	vm0 =	vlt.s32 v10, v11;
	vm1 =	veq.f32 v9, v6;
	v56 =	vor.u32 s20, v4  }
0x171: {  	v12 =	vld [tilespmem:s18+$0xFFFFFFF0];
	s17 =	sadd.s32 $0x30, s17;
	v10 =	vsel vm0, v10, v11;
	v9 =	vnsel vm1, $0x40000000, v56  }
0x172: {  	vm0 =	vlt.s32 v10, v9;
	vm10 =	veq.f32 v7, v6;
	v7 =	vor.u32 s17, v4  }
0x173: {  	v57 =	vld [tilespmem:s18+$0x0];
	v9 =	vsel vm0, v10, v9;
	v7 =	vnsel vm10, $0x40000000, v7  }
0x174: {  	v58 =	vor.u32 s15, v4;
	vm11 =	veq.f32 v8, v6;
	vm1 =	vlt.s32 v9, v7  }
0x175: {  	s28 =	sadd.s32 $0x10, s15;
	v59 =	vld [tilespmem:s18+$0x10];
	v8 =	vnsel vm11, $0x40000000, v58;
	v7 =	vsel vm1, v9, v7  }
0x176: {  	v60 =	vor.u32 s28, v4;
	vm12 =	veq.f32 v12, v6;
	vm0 =	vlt.s32 v7, v8  }
0x177: {  	s29 =	sadd.s32 $0x20, s15;
	v61 =	vnsel vm12, $0x40000000, v60;
	v7 =	vsel vm0, v7, v8  }
0x178: {  	v62 =	vor.u32 s29, v4;
	vm13 =	veq.f32 v57, v6;
	vm0 =	vlt.s32 v7, v61  }
0x179: {  	s30 =	sadd.s32 $0x30, s15;
	v63 =	vnsel vm13, $0x40000000, v62;
	v7 =	vsel vm0, v7, v61  }
0x17a: {  	vm14 =	veq.f32 v59, v6;
	v6 =	vor.u32 s30, v4;
	vm0 =	vlt.s32 v7, v63  }
0x17b: {  	v6 =	vnsel vm14, $0x40000000, v6;
	v7 =	vsel vm0, v7, v63  }
0x17c: {  	vm0 =	vlt.s32 v7, v6  }
0x17d: {  	v6 =	vsel vm0, v7, v6  }
0x17e: {  	v7 =	vperm.xlane v6, v0;
	_ =	sdelay $0x1  }
0x17f: {  	vm0 =	vlt.s32 v6, v7  }
0x180: {  	v6 =	vsel vm0, v6, v7  }
0x181: {  	v7 =	vperm.xlane v6, v1;
	_ =	sdelay $0x1  }
0x182: {  	vm0 =	vlt.s32 v6, v7  }
0x183: {  	v6 =	vsel vm0, v6, v7  }
0x184: {  	v7 =	vperm.xlane v6, v2;
	_ =	sdelay $0x1  }
0x185: {  	vm0 =	vlt.s32 v6, v7  }
0x186: {  	v6 =	vsel vm0, v6, v7  }
0x187: {  	v7 =	vperm.xlane v6, v3;
	_ =	sdelay $0x1  }
0x188: {  	vm0 =	vlt.s32 v6, v7  }
0x189: {  	v6 =	vsel vm0, v6, v7  }
0x18a: {  	(v2sf) =	vpush v6, $0x0;
	_ =	sdelay $0xa  }
0x18b: {  	v6 =	vmov s14;
	s14 =	sadd.s32 $0x1, s14  }
0x18c: {  	p0 =	sne.s32 s14, $0x3  }
.Ltmp10:
0x18d: {  	_ = 	snop;
	(pc) =	sbr.rel @p0 .LBB2_2-.Ltmp10, $4  }
0x18e: {  	_ = 	snop  }
0x18f: {  	s31 =	spop (v2sf)  }
0x190: {  	vm15 =	veq.s32 v6, v4;
	s15 =	sadd.s32 s16, s31  }
0x191: {  	v5 =	vsel vm15, s15, v5  }
0x192: {  	s13 =	sadd.s32 $0x1, s13  }
0x193: {  	p0 =	sne.s32 s13, s7  }
.Ltmp11:
0x194: {  	[tilespmem:$0x8000] =	vst v5;
	(pc) =	sbr.rel @p0 .LBB2_1-.Ltmp11, $4  }
0x195: {  	[hbm4b:s6+s1] =	stream.linear.scatter [tilespmem:s12], [sflag:$0x3], $0x80, $0x38;
	[tilespmem:$0x8080] =	vst v63  }
0x196: {  	_ =	swait.ge [sflag:s11], $0x80  }
0x197: {  	[sflag:s11] =	ssyncset.done $0x0  }
0x198: {  	[sflag:s11] =	ssyncadd.s32 $0xFFFFFF80  }
0x199: {  	_ =	sfence.sel $0x180000  }
0x19a: {  	[bflag:$0x0] =	sbarrier.arrive $0xFFFF  }
0x19b: {  	p0 =	sne.s32 s2, $0x0;
	_ =	strace $0x90000047  }
0x19c: {  	s0 =	sadd.s32 @!p0 $0x100000, s0;
	[bflag:$0x2] =	sbarrier.arrive $0xFFFF  }
0x19d: {  	[sflag:s0] =	ssyncadd.tile.s32 @!p0 $0x1;
	_ =	shalt  }
.Lfunc_end2:
_tile_overlayer_lowered:
.L_overlay_start_2:
0x19e: {  	(tag) =	ssettag $0x2  }
0x19f: {  	s0 =	rddreg [dreg:$0x0];
	s2 =	stileid.u32  }
0x1a0: {  	s1 =	rddreg [dreg:$0x1];
	p0 =	sne.s32 s2, $0x0  }
0x1a1: {  	s3 =	rddreg [dreg:$0x2];
	[bflag:$0x3] =	sbarrier.arrive $0xFFFF;
	s2 =	simm.s32 @!p0 $0x1C03  }
0x1a2: {  	[timem:s3], [sflag:s2] =	dma.local @!p0 [hbm:s0], s1  }
0x1a3: {  	s0 =	simm.s32 @!p0 $0x3  }
0x1a4: {  	_ =	swait.ge @!p0 [sflag:s0], s1  }
0x1a5: {  	s1 =	ssub.s32 @!p0 $0x0, s1;
	[sflag:s0] =	ssyncset.done @!p0 $0x0  }
0x1a6: {  	[sflag:s0] =	ssyncadd.s32 @!p0 s1  }
0x1a7: {  	[bflag:$0x3] =	sbarrier.arrive $0xFFFF  }
0x1a8: {  	_ =	shalt  }

</sc_bundles>
